<compile_context>
chip_gen: v7x
topology: tpu7x:2x2x1
jax: 0.10.2.dev20260603
libtpu: 0.0.44.dev20260713+nightly
codegen_flags: <defaults>
</compile_context>

<pallas_src>
import functools

import jax
import jax.numpy as jnp
from jax import lax
from jax.experimental import pallas as pl
from jax.experimental.pallas import tpu as pltpu
from jax.experimental.pallas import tpu_sc as plsc

BATCH = 16384
HIST_LEN = 50
EMBED_SZ = 64
B = BATCH * HIST_LEN

NUM_CORES = 2
NUM_SUBCORES = 16
NW = NUM_CORES * NUM_SUBCORES
B_PER_W = B // NW
CHUNK = 128
N_CHUNK = B_PER_W // CHUNK
NBUF = 8
K = 4

_mesh = plsc.VectorSubcoreMesh(core_axis_name="c", subcore_axis_name="s")


@functools.partial(
    pl.kernel,
    out_type=jax.ShapeDtypeStruct((B, EMBED_SZ), jnp.float32),
    mesh=_mesh,
    scratch_types=[
        pltpu.VMEM((B_PER_W,), jnp.int32),
        pltpu.VMEM((NBUF, CHUNK, EMBED_SZ), jnp.float32),
        pltpu.SemaphoreType.DMA((NBUF,)),
        pltpu.SemaphoreType.DMA((NBUF,)),
        pltpu.SemaphoreType.DMA,
    ],
    compiler_params=pltpu.CompilerParams(use_tc_tiling_on_sc=False),
)
def _sc_gather(idx_hbm, table_hbm, out_hbm, idx_v, rows_v, gsem, wsem, isem):
    wid = lax.axis_index("s") * NUM_CORES + lax.axis_index("c")
    base = wid * B_PER_W
    head = K * CHUNK

    def start_gather(j, b):
        pltpu.async_copy(
            table_hbm.at[idx_v.at[pl.ds(j * CHUNK, CHUNK)]],
            rows_v.at[b],
            gsem.at[b],
        )

    def wait_gather(b):
        pltpu.make_async_copy(
            table_hbm.at[idx_v.at[pl.ds(0, CHUNK)]],
            rows_v.at[b],
            gsem.at[b],
        ).wait()

    def start_write(j, b):
        pltpu.async_copy(
            rows_v.at[b], out_hbm.at[pl.ds(base + j * CHUNK, CHUNK)], wsem.at[b]
        )

    def wait_write(b):
        pltpu.make_async_copy(
            rows_v.at[b], out_hbm.at[pl.ds(base, CHUNK)], wsem.at[b]
        ).wait()

    pltpu.sync_copy(idx_hbm.at[pl.ds(base, head)], idx_v.at[pl.ds(0, head)])
    tail_src = idx_hbm.at[pl.ds(base + head, B_PER_W - head)]
    tail_dst = idx_v.at[pl.ds(head, B_PER_W - head)]
    pltpu.async_copy(tail_src, tail_dst, isem)

    for j in range(K):
        start_gather(j, j)
    pltpu.make_async_copy(tail_src, tail_dst, isem).wait()

    for j in range(NBUF - K):
        start_gather(j + K, j + K)
        wait_gather(j)
        start_write(j, j)

    def body(g, carry):
        j0 = (NBUF - K) + g * NBUF
        for t in range(NBUF):
            b = (NBUF - K + t) % NBUF
            bt = (b + K) % NBUF
            j = j0 + t
            wait_write(bt)
            start_gather(j + K, bt)
            wait_gather(b)
            start_write(j, b)
        return carry

    n_steady = (N_CHUNK - K - (NBUF - K)) // NBUF
    lax.fori_loop(0, n_steady, body, 0)

    for t in range(K):
        j = N_CHUNK - K + t
        b = j % NBUF
        wait_gather(b)
        start_write(j, b)
    for b in range(NBUF):
        wait_write(b)


def kernel(indices, embed1):
    idx_flat = indices.reshape(B).astype(jnp.int32)
    out = _sc_gather(idx_flat, embed1)
    return out.reshape(BATCH, HIST_LEN, EMBED_SZ)

# --- scband reference (transcript-rebuilt; emitter-appended) ---
"""Pipeline reference for scband-embedding-model-7318624272390 (READ-ONLY COPY).

The authoritative reference and input builder live on the scoring server;
editing this copy changes nothing except your own understanding.
"""

import jax, jax.numpy as jnp
import numpy as np

VOCAB1_SZ = 1000000
EMBED_SZ = 64
W_INIT_VAL = 0.25
BATCH = 16384
HIST_LEN = 50

def setup_inputs(seed: int = 0) -> dict:
    key = jax.random.key(seed)
    k_idx, k_emb = jax.random.split(key)
    indices = jax.random.randint(k_idx, (BATCH, HIST_LEN), 0, VOCAB1_SZ, dtype=jnp.int64 if jax.config.jax_enable_x64 else jnp.int32)
    # embed1 table initialized uniform(-W_init_val, W_init_val) as in mode='rand'
    embed1 = jax.random.uniform(k_emb, (VOCAB1_SZ, EMBED_SZ), dtype=jnp.float32, minval=-W_INIT_VAL, maxval=W_INIT_VAL)
    return {"indices": indices, "embed1": embed1}

def reference(indices, embed1):
    # tf.keras.layers.Embedding lookup: gather rows of the table
    out = jnp.take(embed1, indices, axis=0)  # [BATCH, HIST_LEN, EMBED_SZ]
    return out

if __name__ == "__main__":
    import jax
    _d = setup_inputs()
    print(jax.jit(kernel)(*tuple(_d.values())))

</pallas_src>

<mosaic_0001>
#map = affine_map<(d0, d1) -> (0)>
#map1 = affine_map<(d0, d1) -> (0, 0)>
module attributes {stable_mosaic.version = 14 : i64} {
  func.func @_sc_gather(%arg0: i32, %arg1: i32, %arg2: memref<819200xi32, #tpu.memory_space<hbm>>, %arg3: memref<1000000x64xf32, #tpu.memory_space<hbm>>, %arg4: memref<819200x64xf32, #tpu.memory_space<hbm>>, %arg5: memref<25600xi32, #tpu.memory_space<vmem>>, %arg6: memref<8x128x64xf32, #tpu.memory_space<vmem>>, %arg7: memref<8x!tpu.dma_semaphore, #tpu.memory_space<semaphore_mem>>, %arg8: memref<8x!tpu.dma_semaphore, #tpu.memory_space<semaphore_mem>>, %arg9: memref<!tpu.dma_semaphore, #tpu.memory_space<semaphore_mem>>) attributes {dimension_semantics = [#tpu.dimension_semantics<core_parallel>, #tpu.dimension_semantics<subcore_parallel>], iteration_bounds = array<i64: 2, 16>, scalar_prefetch = 0 : i64, scratch_operands = 5 : i64, tpu.core_type = #tpu.core_type<sc_vector_subcore>, window_params = [{transform_indices = #map}, {transform_indices = #map1}, {transform_indices = #map1}]} {
    %mul3A = arith.constant 2 : i32
    %mul3A_0 = arith.muli %arg1, %mul3A : i32
    %add3A = arith.addi %mul3A_0, %arg0 : i32
    %mul3A_1 = arith.constant 25600 : i32
    %mul3A_2 = arith.muli %add3A, %mul3A_1 : i32
    "tpu.region"() ({
      %run_scoped3A = tpu.sem_alloc : memref<!tpu.dma_semaphore, #tpu.memory_space<semaphore_mem>>
      %dma_start3A_500 = arith.constant 0 : i32
      %dma_start3A_501 = tpu.memref_slice %arg5[%dma_start3A_500] : memref<25600xi32, #tpu.memory_space<vmem>> -> memref<512xi32, #tpu.memory_space<vmem>>
      %dma_start3A_502 = tpu.memref_slice %arg2[%mul3A_2] : memref<819200xi32, #tpu.memory_space<hbm>> -> memref<512xi32, #tpu.memory_space<hbm>>
      %dma_start3A_503 = arith.constant 0 : i32
      %dma_start3A_504 = tpu.memref_slice %arg5[%dma_start3A_503] : memref<25600xi32, #tpu.memory_space<vmem>> -> memref<512xi32, #tpu.memory_space<vmem>>
      %dma_start3A_505 = tpu.memref_slice %arg2[%mul3A_2] : memref<819200xi32, #tpu.memory_space<hbm>> -> memref<512xi32, #tpu.memory_space<hbm>>
      tpu.enqueue_dma source(%dma_start3A_505 : memref<512xi32, #tpu.memory_space<hbm>>) target(%dma_start3A_504 : memref<512xi32, #tpu.memory_space<vmem>>) target_semaphore(%run_scoped3A : memref<!tpu.dma_semaphore, #tpu.memory_space<semaphore_mem>>)
      %dma_wait3A_506 = arith.constant 0 : i32
      %dma_wait3A_507 = tpu.memref_slice %arg5[%dma_wait3A_506] : memref<25600xi32, #tpu.memory_space<vmem>> -> memref<512xi32, #tpu.memory_space<vmem>>
      %dma_wait3A_508 = tpu.memref_slice %arg2[%mul3A_2] : memref<819200xi32, #tpu.memory_space<hbm>> -> memref<512xi32, #tpu.memory_space<hbm>>
      %dma_wait3A_509 = arith.constant 0 : i32
      %dma_wait3A_510 = tpu.memref_slice %arg5[%dma_wait3A_509] : memref<25600xi32, #tpu.memory_space<vmem>> -> memref<512xi32, #tpu.memory_space<vmem>>
      %dma_wait3A_511 = tpu.memref_slice %arg2[%mul3A_2] : memref<819200xi32, #tpu.memory_space<hbm>> -> memref<512xi32, #tpu.memory_space<hbm>>
      tpu.wait_dma2 semaphore(%run_scoped3A : memref<!tpu.dma_semaphore, #tpu.memory_space<semaphore_mem>>) src(%dma_wait3A_511 : memref<512xi32, #tpu.memory_space<hbm>>) dst(%dma_wait3A_510 : memref<512xi32, #tpu.memory_space<vmem>>)
      tpu.yield
    }) : () -> ()
    %add3A_3 = arith.constant 512 : i32
    %add3A_4 = arith.addi %mul3A_2, %add3A_3 : i32
    %dma_start3A = arith.constant 512 : i32
    %dma_start3A_5 = tpu.memref_slice %arg5[%dma_start3A] : memref<25600xi32, #tpu.memory_space<vmem>> -> memref<25088xi32, #tpu.memory_space<vmem>>
    %dma_start3A_6 = tpu.memref_slice %arg2[%add3A_4] : memref<819200xi32, #tpu.memory_space<hbm>> -> memref<25088xi32, #tpu.memory_space<hbm>>
    %dma_start3A_7 = arith.constant 512 : i32
    %dma_start3A_8 = tpu.memref_slice %arg5[%dma_start3A_7] : memref<25600xi32, #tpu.memory_space<vmem>> -> memref<25088xi32, #tpu.memory_space<vmem>>
    %dma_start3A_9 = tpu.memref_slice %arg2[%add3A_4] : memref<819200xi32, #tpu.memory_space<hbm>> -> memref<25088xi32, #tpu.memory_space<hbm>>
    tpu.enqueue_dma source(%dma_start3A_9 : memref<25088xi32, #tpu.memory_space<hbm>>) target(%dma_start3A_8 : memref<25088xi32, #tpu.memory_space<vmem>>) target_semaphore(%arg9 : memref<!tpu.dma_semaphore, #tpu.memory_space<semaphore_mem>>)
    %dma_start3A_10 = arith.constant 0 : i32
    %dma_start3A_11 = arith.constant 0 : i32
    %dma_start3A_12 = arith.constant 0 : i32
    %dma_start3A_13 = arith.constant 0 : i32
    %dma_start3A_14 = tpu.memref_slice %arg6[%dma_start3A_10, %dma_start3A_12, %dma_start3A_13] : memref<8x128x64xf32, #tpu.memory_space<vmem>> -> memref<1x128x64xf32, #tpu.memory_space<vmem>>
    %dma_start3A_15 = tpu.memref_squeeze %dma_start3A_14 : memref<1x128x64xf32, #tpu.memory_space<vmem>> -> memref<128x64xf32, #tpu.memory_space<vmem>>
    %dma_start3A_16 = arith.constant 0 : i32
    %dma_start3A_17 = tpu.memref_slice %arg5[%dma_start3A_16] : memref<25600xi32, #tpu.memory_space<vmem>> -> memref<128xi32, #tpu.memory_space<vmem>>
    %dma_start3A_18 = arith.constant 0 : i32
    %dma_start3A_19 = arith.constant 0 : i32
    %dma_start3A_20 = tpu.memref_slice %arg3[%dma_start3A_18, %dma_start3A_19] : memref<1000000x64xf32, #tpu.memory_space<hbm>> -> memref<1000000x64xf32, #tpu.memory_space<hbm>>
    %dma_start3A_21 = tpu.memref_slice %arg7[%dma_start3A_11] : memref<8x!tpu.dma_semaphore, #tpu.memory_space<semaphore_mem>> -> memref<1x!tpu.dma_semaphore, #tpu.memory_space<semaphore_mem>>
    %dma_start3A_22 = tpu.memref_squeeze %dma_start3A_21 : memref<1x!tpu.dma_semaphore, #tpu.memory_space<semaphore_mem>> -> memref<!tpu.dma_semaphore, #tpu.memory_space<semaphore_mem>>
    tpu.enqueue_indirect_dma source(%dma_start3A_20 : memref<1000000x64xf32, #tpu.memory_space<hbm>>) target(%dma_start3A_15 : memref<128x64xf32, #tpu.memory_space<vmem>>) offsets(%dma_start3A_17 : memref<128xi32, #tpu.memory_space<vmem>>) semaphore(%dma_start3A_22 : memref<!tpu.dma_semaphore, #tpu.memory_space<semaphore_mem>>)
    %dma_start3A_23 = arith.constant 1 : i32
    %dma_start3A_24 = arith.constant 1 : i32
    %dma_start3A_25 = arith.constant 0 : i32
    %dma_start3A_26 = arith.constant 0 : i32
    %dma_start3A_27 = tpu.memref_slice %arg6[%dma_start3A_23, %dma_start3A_25, %dma_start3A_26] : memref<8x128x64xf32, #tpu.memory_space<vmem>> -> memref<1x128x64xf32, #tpu.memory_space<vmem>>
    %dma_start3A_28 = tpu.memref_squeeze %dma_start3A_27 : memref<1x128x64xf32, #tpu.memory_space<vmem>> -> memref<128x64xf32, #tpu.memory_space<vmem>>
    %dma_start3A_29 = arith.constant 128 : i32
    %dma_start3A_30 = tpu.memref_slice %arg5[%dma_start3A_29] : memref<25600xi32, #tpu.memory_space<vmem>> -> memref<128xi32, #tpu.memory_space<vmem>>
    %dma_start3A_31 = arith.constant 0 : i32
    %dma_start3A_32 = arith.constant 0 : i32
    %dma_start3A_33 = tpu.memref_slice %arg3[%dma_start3A_31, %dma_start3A_32] : memref<1000000x64xf32, #tpu.memory_space<hbm>> -> memref<1000000x64xf32, #tpu.memory_space<hbm>>
    %dma_start3A_34 = tpu.memref_slice %arg7[%dma_start3A_24] : memref<8x!tpu.dma_semaphore, #tpu.memory_space<semaphore_mem>> -> memref<1x!tpu.dma_semaphore, #tpu.memory_space<semaphore_mem>>
    %dma_start3A_35 = tpu.memref_squeeze %dma_start3A_34 : memref<1x!tpu.dma_semaphore, #tpu.memory_space<semaphore_mem>> -> memref<!tpu.dma_semaphore, #tpu.memory_space<semaphore_mem>>
    tpu.enqueue_indirect_dma source(%dma_start3A_33 : memref<1000000x64xf32, #tpu.memory_space<hbm>>) target(%dma_start3A_28 : memref<128x64xf32, #tpu.memory_space<vmem>>) offsets(%dma_start3A_30 : memref<128xi32, #tpu.memory_space<vmem>>) semaphore(%dma_start3A_35 : memref<!tpu.dma_semaphore, #tpu.memory_space<semaphore_mem>>)
    %dma_start3A_36 = arith.constant 2 : i32
    %dma_start3A_37 = arith.constant 2 : i32
    %dma_start3A_38 = arith.constant 0 : i32
    %dma_start3A_39 = arith.constant 0 : i32
    %dma_start3A_40 = tpu.memref_slice %arg6[%dma_start3A_36, %dma_start3A_38, %dma_start3A_39] : memref<8x128x64xf32, #tpu.memory_space<vmem>> -> memref<1x128x64xf32, #tpu.memory_space<vmem>>
    %dma_start3A_41 = tpu.memref_squeeze %dma_start3A_40 : memref<1x128x64xf32, #tpu.memory_space<vmem>> -> memref<128x64xf32, #tpu.memory_space<vmem>>
    %dma_start3A_42 = arith.constant 256 : i32
    %dma_start3A_43 = tpu.memref_slice %arg5[%dma_start3A_42] : memref<25600xi32, #tpu.memory_space<vmem>> -> memref<128xi32, #tpu.memory_space<vmem>>
    %dma_start3A_44 = arith.constant 0 : i32
    %dma_start3A_45 = arith.constant 0 : i32
    %dma_start3A_46 = tpu.memref_slice %arg3[%dma_start3A_44, %dma_start3A_45] : memref<1000000x64xf32, #tpu.memory_space<hbm>> -> memref<1000000x64xf32, #tpu.memory_space<hbm>>
    %dma_start3A_47 = tpu.memref_slice %arg7[%dma_start3A_37] : memref<8x!tpu.dma_semaphore, #tpu.memory_space<semaphore_mem>> -> memref<1x!tpu.dma_semaphore, #tpu.memory_space<semaphore_mem>>
    %dma_start3A_48 = tpu.memref_squeeze %dma_start3A_47 : memref<1x!tpu.dma_semaphore, #tpu.memory_space<semaphore_mem>> -> memref<!tpu.dma_semaphore, #tpu.memory_space<semaphore_mem>>
    tpu.enqueue_indirect_dma source(%dma_start3A_46 : memref<1000000x64xf32, #tpu.memory_space<hbm>>) target(%dma_start3A_41 : memref<128x64xf32, #tpu.memory_space<vmem>>) offsets(%dma_start3A_43 : memref<128xi32, #tpu.memory_space<vmem>>) semaphore(%dma_start3A_48 : memref<!tpu.dma_semaphore, #tpu.memory_space<semaphore_mem>>)
    %dma_start3A_49 = arith.constant 3 : i32
    %dma_start3A_50 = arith.constant 3 : i32
    %dma_start3A_51 = arith.constant 0 : i32
    %dma_start3A_52 = arith.constant 0 : i32
    %dma_start3A_53 = tpu.memref_slice %arg6[%dma_start3A_49, %dma_start3A_51, %dma_start3A_52] : memref<8x128x64xf32, #tpu.memory_space<vmem>> -> memref<1x128x64xf32, #tpu.memory_space<vmem>>
    %dma_start3A_54 = tpu.memref_squeeze %dma_start3A_53 : memref<1x128x64xf32, #tpu.memory_space<vmem>> -> memref<128x64xf32, #tpu.memory_space<vmem>>
    %dma_start3A_55 = arith.constant 384 : i32
    %dma_start3A_56 = tpu.memref_slice %arg5[%dma_start3A_55] : memref<25600xi32, #tpu.memory_space<vmem>> -> memref<128xi32, #tpu.memory_space<vmem>>
    %dma_start3A_57 = arith.constant 0 : i32
    %dma_start3A_58 = arith.constant 0 : i32
    %dma_start3A_59 = tpu.memref_slice %arg3[%dma_start3A_57, %dma_start3A_58] : memref<1000000x64xf32, #tpu.memory_space<hbm>> -> memref<1000000x64xf32, #tpu.memory_space<hbm>>
    %dma_start3A_60 = tpu.memref_slice %arg7[%dma_start3A_50] : memref<8x!tpu.dma_semaphore, #tpu.memory_space<semaphore_mem>> -> memref<1x!tpu.dma_semaphore, #tpu.memory_space<semaphore_mem>>
    %dma_start3A_61 = tpu.memref_squeeze %dma_start3A_60 : memref<1x!tpu.dma_semaphore, #tpu.memory_space<semaphore_mem>> -> memref<!tpu.dma_semaphore, #tpu.memory_space<semaphore_mem>>
    tpu.enqueue_indirect_dma source(%dma_start3A_59 : memref<1000000x64xf32, #tpu.memory_space<hbm>>) target(%dma_start3A_54 : memref<128x64xf32, #tpu.memory_space<vmem>>) offsets(%dma_start3A_56 : memref<128xi32, #tpu.memory_space<vmem>>) semaphore(%dma_start3A_61 : memref<!tpu.dma_semaphore, #tpu.memory_space<semaphore_mem>>)
    %dma_wait3A = arith.constant 512 : i32
    %dma_wait3A_62 = tpu.memref_slice %arg5[%dma_wait3A] : memref<25600xi32, #tpu.memory_space<vmem>> -> memref<25088xi32, #tpu.memory_space<vmem>>
    %dma_wait3A_63 = tpu.memref_slice %arg2[%add3A_4] : memref<819200xi32, #tpu.memory_space<hbm>> -> memref<25088xi32, #tpu.memory_space<hbm>>
    %dma_wait3A_64 = arith.constant 512 : i32
    %dma_wait3A_65 = tpu.memref_slice %arg5[%dma_wait3A_64] : memref<25600xi32, #tpu.memory_space<vmem>> -> memref<25088xi32, #tpu.memory_space<vmem>>
    %dma_wait3A_66 = tpu.memref_slice %arg2[%add3A_4] : memref<819200xi32, #tpu.memory_space<hbm>> -> memref<25088xi32, #tpu.memory_space<hbm>>
    tpu.wait_dma2 semaphore(%arg9 : memref<!tpu.dma_semaphore, #tpu.memory_space<semaphore_mem>>) src(%dma_wait3A_66 : memref<25088xi32, #tpu.memory_space<hbm>>) dst(%dma_wait3A_65 : memref<25088xi32, #tpu.memory_space<vmem>>)
    %dma_start3A_67 = arith.constant 4 : i32
    %dma_start3A_68 = arith.constant 4 : i32
    %dma_start3A_69 = arith.constant 0 : i32
    %dma_start3A_70 = arith.constant 0 : i32
    %dma_start3A_71 = tpu.memref_slice %arg6[%dma_start3A_67, %dma_start3A_69, %dma_start3A_70] : memref<8x128x64xf32, #tpu.memory_space<vmem>> -> memref<1x128x64xf32, #tpu.memory_space<vmem>>
    %dma_start3A_72 = tpu.memref_squeeze %dma_start3A_71 : memref<1x128x64xf32, #tpu.memory_space<vmem>> -> memref<128x64xf32, #tpu.memory_space<vmem>>
    %dma_start3A_73 = arith.constant 512 : i32
    %dma_start3A_74 = tpu.memref_slice %arg5[%dma_start3A_73] : memref<25600xi32, #tpu.memory_space<vmem>> -> memref<128xi32, #tpu.memory_space<vmem>>
    %dma_start3A_75 = arith.constant 0 : i32
    %dma_start3A_76 = arith.constant 0 : i32
    %dma_start3A_77 = tpu.memref_slice %arg3[%dma_start3A_75, %dma_start3A_76] : memref<1000000x64xf32, #tpu.memory_space<hbm>> -> memref<1000000x64xf32, #tpu.memory_space<hbm>>
    %dma_start3A_78 = tpu.memref_slice %arg7[%dma_start3A_68] : memref<8x!tpu.dma_semaphore, #tpu.memory_space<semaphore_mem>> -> memref<1x!tpu.dma_semaphore, #tpu.memory_space<semaphore_mem>>
    %dma_start3A_79 = tpu.memref_squeeze %dma_start3A_78 : memref<1x!tpu.dma_semaphore, #tpu.memory_space<semaphore_mem>> -> memref<!tpu.dma_semaphore, #tpu.memory_space<semaphore_mem>>
    tpu.enqueue_indirect_dma source(%dma_start3A_77 : memref<1000000x64xf32, #tpu.memory_space<hbm>>) target(%dma_start3A_72 : memref<128x64xf32, #tpu.memory_space<vmem>>) offsets(%dma_start3A_74 : memref<128xi32, #tpu.memory_space<vmem>>) semaphore(%dma_start3A_79 : memref<!tpu.dma_semaphore, #tpu.memory_space<semaphore_mem>>)
    %dma_wait3A_80 = arith.constant 0 : i32
    %dma_wait3A_81 = arith.constant 0 : i32
    %dma_wait3A_82 = arith.constant 0 : i32
    %dma_wait3A_83 = arith.constant 0 : i32
    %dma_wait3A_84 = tpu.memref_slice %arg6[%dma_wait3A_80, %dma_wait3A_82, %dma_wait3A_83] : memref<8x128x64xf32, #tpu.memory_space<vmem>> -> memref<1x128x64xf32, #tpu.memory_space<vmem>>
    %dma_wait3A_85 = tpu.memref_squeeze %dma_wait3A_84 : memref<1x128x64xf32, #tpu.memory_space<vmem>> -> memref<128x64xf32, #tpu.memory_space<vmem>>
    %dma_wait3A_86 = arith.constant 0 : i32
    %dma_wait3A_87 = tpu.memref_slice %arg5[%dma_wait3A_86] : memref<25600xi32, #tpu.memory_space<vmem>> -> memref<128xi32, #tpu.memory_space<vmem>>
    %dma_wait3A_88 = arith.constant 0 : i32
    %dma_wait3A_89 = arith.constant 0 : i32
    %dma_wait3A_90 = tpu.memref_slice %arg3[%dma_wait3A_88, %dma_wait3A_89] : memref<1000000x64xf32, #tpu.memory_space<hbm>> -> memref<1000000x64xf32, #tpu.memory_space<hbm>>
    %dma_wait3A_91 = tpu.memref_slice %arg7[%dma_wait3A_81] : memref<8x!tpu.dma_semaphore, #tpu.memory_space<semaphore_mem>> -> memref<1x!tpu.dma_semaphore, #tpu.memory_space<semaphore_mem>>
    %dma_wait3A_92 = tpu.memref_squeeze %dma_wait3A_91 : memref<1x!tpu.dma_semaphore, #tpu.memory_space<semaphore_mem>> -> memref<!tpu.dma_semaphore, #tpu.memory_space<semaphore_mem>>
    tpu.wait_indirect_dma semaphore(%dma_wait3A_92 : memref<!tpu.dma_semaphore, #tpu.memory_space<semaphore_mem>>) src(%dma_wait3A_90 : memref<1000000x64xf32, #tpu.memory_space<hbm>>) dst(%dma_wait3A_85 : memref<128x64xf32, #tpu.memory_space<vmem>>)
    %add3A_93 = arith.constant 0 : i32
    %add3A_94 = arith.addi %mul3A_2, %add3A_93 : i32
    %dma_start3A_95 = arith.constant 0 : i32
    %dma_start3A_96 = arith.constant 0 : i32
    %dma_start3A_97 = arith.constant 0 : i32
    %dma_start3A_98 = arith.constant 0 : i32
    %dma_start3A_99 = tpu.memref_slice %arg6[%dma_start3A_95, %dma_start3A_97, %dma_start3A_98] : memref<8x128x64xf32, #tpu.memory_space<vmem>> -> memref<1x128x64xf32, #tpu.memory_space<vmem>>
    %dma_start3A_100 = tpu.memref_squeeze %dma_start3A_99 : memref<1x128x64xf32, #tpu.memory_space<vmem>> -> memref<128x64xf32, #tpu.memory_space<vmem>>
    %dma_start3A_101 = arith.constant 0 : i32
    %dma_start3A_102 = tpu.memref_slice %arg4[%add3A_94, %dma_start3A_101] : memref<819200x64xf32, #tpu.memory_space<hbm>> -> memref<128x64xf32, #tpu.memory_space<hbm>>
    %dma_start3A_103 = tpu.memref_slice %arg8[%dma_start3A_96] : memref<8x!tpu.dma_semaphore, #tpu.memory_space<semaphore_mem>> -> memref<1x!tpu.dma_semaphore, #tpu.memory_space<semaphore_mem>>
    %dma_start3A_104 = tpu.memref_squeeze %dma_start3A_103 : memref<1x!tpu.dma_semaphore, #tpu.memory_space<semaphore_mem>> -> memref<!tpu.dma_semaphore, #tpu.memory_space<semaphore_mem>>
    %dma_start3A_105 = arith.constant 0 : i32
    %dma_start3A_106 = tpu.memref_slice %arg4[%add3A_94, %dma_start3A_105] : memref<819200x64xf32, #tpu.memory_space<hbm>> -> memref<128x64xf32, #tpu.memory_space<hbm>>
    %dma_start3A_107 = arith.constant 0 : i32
    %dma_start3A_108 = arith.constant 0 : i32
    %dma_start3A_109 = tpu.memref_slice %arg6[%dma_start3A_95, %dma_start3A_107, %dma_start3A_108] : memref<8x128x64xf32, #tpu.memory_space<vmem>> -> memref<1x128x64xf32, #tpu.memory_space<vmem>>
    %dma_start3A_110 = tpu.memref_squeeze %dma_start3A_109 : memref<1x128x64xf32, #tpu.memory_space<vmem>> -> memref<128x64xf32, #tpu.memory_space<vmem>>
    tpu.enqueue_dma source(%dma_start3A_110 : memref<128x64xf32, #tpu.memory_space<vmem>>) target(%dma_start3A_106 : memref<128x64xf32, #tpu.memory_space<hbm>>) target_semaphore(%dma_start3A_104 : memref<!tpu.dma_semaphore, #tpu.memory_space<semaphore_mem>>)
    %dma_start3A_111 = arith.constant 5 : i32
    %dma_start3A_112 = arith.constant 5 : i32
    %dma_start3A_113 = arith.constant 0 : i32
    %dma_start3A_114 = arith.constant 0 : i32
    %dma_start3A_115 = tpu.memref_slice %arg6[%dma_start3A_111, %dma_start3A_113, %dma_start3A_114] : memref<8x128x64xf32, #tpu.memory_space<vmem>> -> memref<1x128x64xf32, #tpu.memory_space<vmem>>
    %dma_start3A_116 = tpu.memref_squeeze %dma_start3A_115 : memref<1x128x64xf32, #tpu.memory_space<vmem>> -> memref<128x64xf32, #tpu.memory_space<vmem>>
    %dma_start3A_117 = arith.constant 640 : i32
    %dma_start3A_118 = tpu.memref_slice %arg5[%dma_start3A_117] : memref<25600xi32, #tpu.memory_space<vmem>> -> memref<128xi32, #tpu.memory_space<vmem>>
    %dma_start3A_119 = arith.constant 0 : i32
    %dma_start3A_120 = arith.constant 0 : i32
    %dma_start3A_121 = tpu.memref_slice %arg3[%dma_start3A_119, %dma_start3A_120] : memref<1000000x64xf32, #tpu.memory_space<hbm>> -> memref<1000000x64xf32, #tpu.memory_space<hbm>>
    %dma_start3A_122 = tpu.memref_slice %arg7[%dma_start3A_112] : memref<8x!tpu.dma_semaphore, #tpu.memory_space<semaphore_mem>> -> memref<1x!tpu.dma_semaphore, #tpu.memory_space<semaphore_mem>>
    %dma_start3A_123 = tpu.memref_squeeze %dma_start3A_122 : memref<1x!tpu.dma_semaphore, #tpu.memory_space<semaphore_mem>> -> memref<!tpu.dma_semaphore, #tpu.memory_space<semaphore_mem>>
    tpu.enqueue_indirect_dma source(%dma_start3A_121 : memref<1000000x64xf32, #tpu.memory_space<hbm>>) target(%dma_start3A_116 : memref<128x64xf32, #tpu.memory_space<vmem>>) offsets(%dma_start3A_118 : memref<128xi32, #tpu.memory_space<vmem>>) semaphore(%dma_start3A_123 : memref<!tpu.dma_semaphore, #tpu.memory_space<semaphore_mem>>)
    %dma_wait3A_124 = arith.constant 1 : i32
    %dma_wait3A_125 = arith.constant 1 : i32
    %dma_wait3A_126 = arith.constant 0 : i32
    %dma_wait3A_127 = arith.constant 0 : i32
    %dma_wait3A_128 = tpu.memref_slice %arg6[%dma_wait3A_124, %dma_wait3A_126, %dma_wait3A_127] : memref<8x128x64xf32, #tpu.memory_space<vmem>> -> memref<1x128x64xf32, #tpu.memory_space<vmem>>
    %dma_wait3A_129 = tpu.memref_squeeze %dma_wait3A_128 : memref<1x128x64xf32, #tpu.memory_space<vmem>> -> memref<128x64xf32, #tpu.memory_space<vmem>>
    %dma_wait3A_130 = arith.constant 0 : i32
    %dma_wait3A_131 = tpu.memref_slice %arg5[%dma_wait3A_130] : memref<25600xi32, #tpu.memory_space<vmem>> -> memref<128xi32, #tpu.memory_space<vmem>>
    %dma_wait3A_132 = arith.constant 0 : i32
    %dma_wait3A_133 = arith.constant 0 : i32
    %dma_wait3A_134 = tpu.memref_slice %arg3[%dma_wait3A_132, %dma_wait3A_133] : memref<1000000x64xf32, #tpu.memory_space<hbm>> -> memref<1000000x64xf32, #tpu.memory_space<hbm>>
    %dma_wait3A_135 = tpu.memref_slice %arg7[%dma_wait3A_125] : memref<8x!tpu.dma_semaphore, #tpu.memory_space<semaphore_mem>> -> memref<1x!tpu.dma_semaphore, #tpu.memory_space<semaphore_mem>>
    %dma_wait3A_136 = tpu.memref_squeeze %dma_wait3A_135 : memref<1x!tpu.dma_semaphore, #tpu.memory_space<semaphore_mem>> -> memref<!tpu.dma_semaphore, #tpu.memory_space<semaphore_mem>>
    tpu.wait_indirect_dma semaphore(%dma_wait3A_136 : memref<!tpu.dma_semaphore, #tpu.memory_space<semaphore_mem>>) src(%dma_wait3A_134 : memref<1000000x64xf32, #tpu.memory_space<hbm>>) dst(%dma_wait3A_129 : memref<128x64xf32, #tpu.memory_space<vmem>>)
    %add3A_137 = arith.constant 128 : i32
    %add3A_138 = arith.addi %mul3A_2, %add3A_137 : i32
    %dma_start3A_139 = arith.constant 1 : i32
    %dma_start3A_140 = arith.constant 1 : i32
    %dma_start3A_141 = arith.constant 0 : i32
    %dma_start3A_142 = arith.constant 0 : i32
    %dma_start3A_143 = tpu.memref_slice %arg6[%dma_start3A_139, %dma_start3A_141, %dma_start3A_142] : memref<8x128x64xf32, #tpu.memory_space<vmem>> -> memref<1x128x64xf32, #tpu.memory_space<vmem>>
    %dma_start3A_144 = tpu.memref_squeeze %dma_start3A_143 : memref<1x128x64xf32, #tpu.memory_space<vmem>> -> memref<128x64xf32, #tpu.memory_space<vmem>>
    %dma_start3A_145 = arith.constant 0 : i32
    %dma_start3A_146 = tpu.memref_slice %arg4[%add3A_138, %dma_start3A_145] : memref<819200x64xf32, #tpu.memory_space<hbm>> -> memref<128x64xf32, #tpu.memory_space<hbm>>
    %dma_start3A_147 = tpu.memref_slice %arg8[%dma_start3A_140] : memref<8x!tpu.dma_semaphore, #tpu.memory_space<semaphore_mem>> -> memref<1x!tpu.dma_semaphore, #tpu.memory_space<semaphore_mem>>
    %dma_start3A_148 = tpu.memref_squeeze %dma_start3A_147 : memref<1x!tpu.dma_semaphore, #tpu.memory_space<semaphore_mem>> -> memref<!tpu.dma_semaphore, #tpu.memory_space<semaphore_mem>>
    %dma_start3A_149 = arith.constant 0 : i32
    %dma_start3A_150 = tpu.memref_slice %arg4[%add3A_138, %dma_start3A_149] : memref<819200x64xf32, #tpu.memory_space<hbm>> -> memref<128x64xf32, #tpu.memory_space<hbm>>
    %dma_start3A_151 = arith.constant 0 : i32
    %dma_start3A_152 = arith.constant 0 : i32
    %dma_start3A_153 = tpu.memref_slice %arg6[%dma_start3A_139, %dma_start3A_151, %dma_start3A_152] : memref<8x128x64xf32, #tpu.memory_space<vmem>> -> memref<1x128x64xf32, #tpu.memory_space<vmem>>
    %dma_start3A_154 = tpu.memref_squeeze %dma_start3A_153 : memref<1x128x64xf32, #tpu.memory_space<vmem>> -> memref<128x64xf32, #tpu.memory_space<vmem>>
    tpu.enqueue_dma source(%dma_start3A_154 : memref<128x64xf32, #tpu.memory_space<vmem>>) target(%dma_start3A_150 : memref<128x64xf32, #tpu.memory_space<hbm>>) target_semaphore(%dma_start3A_148 : memref<!tpu.dma_semaphore, #tpu.memory_space<semaphore_mem>>)
    %dma_start3A_155 = arith.constant 6 : i32
    %dma_start3A_156 = arith.constant 6 : i32
    %dma_start3A_157 = arith.constant 0 : i32
    %dma_start3A_158 = arith.constant 0 : i32
    %dma_start3A_159 = tpu.memref_slice %arg6[%dma_start3A_155, %dma_start3A_157, %dma_start3A_158] : memref<8x128x64xf32, #tpu.memory_space<vmem>> -> memref<1x128x64xf32, #tpu.memory_space<vmem>>
    %dma_start3A_160 = tpu.memref_squeeze %dma_start3A_159 : memref<1x128x64xf32, #tpu.memory_space<vmem>> -> memref<128x64xf32, #tpu.memory_space<vmem>>
    %dma_start3A_161 = arith.constant 768 : i32
    %dma_start3A_162 = tpu.memref_slice %arg5[%dma_start3A_161] : memref<25600xi32, #tpu.memory_space<vmem>> -> memref<128xi32, #tpu.memory_space<vmem>>
    %dma_start3A_163 = arith.constant 0 : i32
    %dma_start3A_164 = arith.constant 0 : i32
    %dma_start3A_165 = tpu.memref_slice %arg3[%dma_start3A_163, %dma_start3A_164] : memref<1000000x64xf32, #tpu.memory_space<hbm>> -> memref<1000000x64xf32, #tpu.memory_space<hbm>>
    %dma_start3A_166 = tpu.memref_slice %arg7[%dma_start3A_156] : memref<8x!tpu.dma_semaphore, #tpu.memory_space<semaphore_mem>> -> memref<1x!tpu.dma_semaphore, #tpu.memory_space<semaphore_mem>>
    %dma_start3A_167 = tpu.memref_squeeze %dma_start3A_166 : memref<1x!tpu.dma_semaphore, #tpu.memory_space<semaphore_mem>> -> memref<!tpu.dma_semaphore, #tpu.memory_space<semaphore_mem>>
    tpu.enqueue_indirect_dma source(%dma_start3A_165 : memref<1000000x64xf32, #tpu.memory_space<hbm>>) target(%dma_start3A_160 : memref<128x64xf32, #tpu.memory_space<vmem>>) offsets(%dma_start3A_162 : memref<128xi32, #tpu.memory_space<vmem>>) semaphore(%dma_start3A_167 : memref<!tpu.dma_semaphore, #tpu.memory_space<semaphore_mem>>)
    %dma_wait3A_168 = arith.constant 2 : i32
    %dma_wait3A_169 = arith.constant 2 : i32
    %dma_wait3A_170 = arith.constant 0 : i32
    %dma_wait3A_171 = arith.constant 0 : i32
    %dma_wait3A_172 = tpu.memref_slice %arg6[%dma_wait3A_168, %dma_wait3A_170, %dma_wait3A_171] : memref<8x128x64xf32, #tpu.memory_space<vmem>> -> memref<1x128x64xf32, #tpu.memory_space<vmem>>
    %dma_wait3A_173 = tpu.memref_squeeze %dma_wait3A_172 : memref<1x128x64xf32, #tpu.memory_space<vmem>> -> memref<128x64xf32, #tpu.memory_space<vmem>>
    %dma_wait3A_174 = arith.constant 0 : i32
    %dma_wait3A_175 = tpu.memref_slice %arg5[%dma_wait3A_174] : memref<25600xi32, #tpu.memory_space<vmem>> -> memref<128xi32, #tpu.memory_space<vmem>>
    %dma_wait3A_176 = arith.constant 0 : i32
    %dma_wait3A_177 = arith.constant 0 : i32
    %dma_wait3A_178 = tpu.memref_slice %arg3[%dma_wait3A_176, %dma_wait3A_177] : memref<1000000x64xf32, #tpu.memory_space<hbm>> -> memref<1000000x64xf32, #tpu.memory_space<hbm>>
    %dma_wait3A_179 = tpu.memref_slice %arg7[%dma_wait3A_169] : memref<8x!tpu.dma_semaphore, #tpu.memory_space<semaphore_mem>> -> memref<1x!tpu.dma_semaphore, #tpu.memory_space<semaphore_mem>>
    %dma_wait3A_180 = tpu.memref_squeeze %dma_wait3A_179 : memref<1x!tpu.dma_semaphore, #tpu.memory_space<semaphore_mem>> -> memref<!tpu.dma_semaphore, #tpu.memory_space<semaphore_mem>>
    tpu.wait_indirect_dma semaphore(%dma_wait3A_180 : memref<!tpu.dma_semaphore, #tpu.memory_space<semaphore_mem>>) src(%dma_wait3A_178 : memref<1000000x64xf32, #tpu.memory_space<hbm>>) dst(%dma_wait3A_173 : memref<128x64xf32, #tpu.memory_space<vmem>>)
    %add3A_181 = arith.constant 256 : i32
    %add3A_182 = arith.addi %mul3A_2, %add3A_181 : i32
    %dma_start3A_183 = arith.constant 2 : i32
    %dma_start3A_184 = arith.constant 2 : i32
    %dma_start3A_185 = arith.constant 0 : i32
    %dma_start3A_186 = arith.constant 0 : i32
    %dma_start3A_187 = tpu.memref_slice %arg6[%dma_start3A_183, %dma_start3A_185, %dma_start3A_186] : memref<8x128x64xf32, #tpu.memory_space<vmem>> -> memref<1x128x64xf32, #tpu.memory_space<vmem>>
    %dma_start3A_188 = tpu.memref_squeeze %dma_start3A_187 : memref<1x128x64xf32, #tpu.memory_space<vmem>> -> memref<128x64xf32, #tpu.memory_space<vmem>>
    %dma_start3A_189 = arith.constant 0 : i32
    %dma_start3A_190 = tpu.memref_slice %arg4[%add3A_182, %dma_start3A_189] : memref<819200x64xf32, #tpu.memory_space<hbm>> -> memref<128x64xf32, #tpu.memory_space<hbm>>
    %dma_start3A_191 = tpu.memref_slice %arg8[%dma_start3A_184] : memref<8x!tpu.dma_semaphore, #tpu.memory_space<semaphore_mem>> -> memref<1x!tpu.dma_semaphore, #tpu.memory_space<semaphore_mem>>
    %dma_start3A_192 = tpu.memref_squeeze %dma_start3A_191 : memref<1x!tpu.dma_semaphore, #tpu.memory_space<semaphore_mem>> -> memref<!tpu.dma_semaphore, #tpu.memory_space<semaphore_mem>>
    %dma_start3A_193 = arith.constant 0 : i32
    %dma_start3A_194 = tpu.memref_slice %arg4[%add3A_182, %dma_start3A_193] : memref<819200x64xf32, #tpu.memory_space<hbm>> -> memref<128x64xf32, #tpu.memory_space<hbm>>
    %dma_start3A_195 = arith.constant 0 : i32
    %dma_start3A_196 = arith.constant 0 : i32
    %dma_start3A_197 = tpu.memref_slice %arg6[%dma_start3A_183, %dma_start3A_195, %dma_start3A_196] : memref<8x128x64xf32, #tpu.memory_space<vmem>> -> memref<1x128x64xf32, #tpu.memory_space<vmem>>
    %dma_start3A_198 = tpu.memref_squeeze %dma_start3A_197 : memref<1x128x64xf32, #tpu.memory_space<vmem>> -> memref<128x64xf32, #tpu.memory_space<vmem>>
    tpu.enqueue_dma source(%dma_start3A_198 : memref<128x64xf32, #tpu.memory_space<vmem>>) target(%dma_start3A_194 : memref<128x64xf32, #tpu.memory_space<hbm>>) target_semaphore(%dma_start3A_192 : memref<!tpu.dma_semaphore, #tpu.memory_space<semaphore_mem>>)
    %dma_start3A_199 = arith.constant 7 : i32
    %dma_start3A_200 = arith.constant 7 : i32
    %dma_start3A_201 = arith.constant 0 : i32
    %dma_start3A_202 = arith.constant 0 : i32
    %dma_start3A_203 = tpu.memref_slice %arg6[%dma_start3A_199, %dma_start3A_201, %dma_start3A_202] : memref<8x128x64xf32, #tpu.memory_space<vmem>> -> memref<1x128x64xf32, #tpu.memory_space<vmem>>
    %dma_start3A_204 = tpu.memref_squeeze %dma_start3A_203 : memref<1x128x64xf32, #tpu.memory_space<vmem>> -> memref<128x64xf32, #tpu.memory_space<vmem>>
    %dma_start3A_205 = arith.constant 896 : i32
    %dma_start3A_206 = tpu.memref_slice %arg5[%dma_start3A_205] : memref<25600xi32, #tpu.memory_space<vmem>> -> memref<128xi32, #tpu.memory_space<vmem>>
    %dma_start3A_207 = arith.constant 0 : i32
    %dma_start3A_208 = arith.constant 0 : i32
    %dma_start3A_209 = tpu.memref_slice %arg3[%dma_start3A_207, %dma_start3A_208] : memref<1000000x64xf32, #tpu.memory_space<hbm>> -> memref<1000000x64xf32, #tpu.memory_space<hbm>>
    %dma_start3A_210 = tpu.memref_slice %arg7[%dma_start3A_200] : memref<8x!tpu.dma_semaphore, #tpu.memory_space<semaphore_mem>> -> memref<1x!tpu.dma_semaphore, #tpu.memory_space<semaphore_mem>>
    %dma_start3A_211 = tpu.memref_squeeze %dma_start3A_210 : memref<1x!tpu.dma_semaphore, #tpu.memory_space<semaphore_mem>> -> memref<!tpu.dma_semaphore, #tpu.memory_space<semaphore_mem>>
    tpu.enqueue_indirect_dma source(%dma_start3A_209 : memref<1000000x64xf32, #tpu.memory_space<hbm>>) target(%dma_start3A_204 : memref<128x64xf32, #tpu.memory_space<vmem>>) offsets(%dma_start3A_206 : memref<128xi32, #tpu.memory_space<vmem>>) semaphore(%dma_start3A_211 : memref<!tpu.dma_semaphore, #tpu.memory_space<semaphore_mem>>)
    %dma_wait3A_212 = arith.constant 3 : i32
    %dma_wait3A_213 = arith.constant 3 : i32
    %dma_wait3A_214 = arith.constant 0 : i32
    %dma_wait3A_215 = arith.constant 0 : i32
    %dma_wait3A_216 = tpu.memref_slice %arg6[%dma_wait3A_212, %dma_wait3A_214, %dma_wait3A_215] : memref<8x128x64xf32, #tpu.memory_space<vmem>> -> memref<1x128x64xf32, #tpu.memory_space<vmem>>
    %dma_wait3A_217 = tpu.memref_squeeze %dma_wait3A_216 : memref<1x128x64xf32, #tpu.memory_space<vmem>> -> memref<128x64xf32, #tpu.memory_space<vmem>>
    %dma_wait3A_218 = arith.constant 0 : i32
    %dma_wait3A_219 = tpu.memref_slice %arg5[%dma_wait3A_218] : memref<25600xi32, #tpu.memory_space<vmem>> -> memref<128xi32, #tpu.memory_space<vmem>>
    %dma_wait3A_220 = arith.constant 0 : i32
    %dma_wait3A_221 = arith.constant 0 : i32
    %dma_wait3A_222 = tpu.memref_slice %arg3[%dma_wait3A_220, %dma_wait3A_221] : memref<1000000x64xf32, #tpu.memory_space<hbm>> -> memref<1000000x64xf32, #tpu.memory_space<hbm>>
    %dma_wait3A_223 = tpu.memref_slice %arg7[%dma_wait3A_213] : memref<8x!tpu.dma_semaphore, #tpu.memory_space<semaphore_mem>> -> memref<1x!tpu.dma_semaphore, #tpu.memory_space<semaphore_mem>>
    %dma_wait3A_224 = tpu.memref_squeeze %dma_wait3A_223 : memref<1x!tpu.dma_semaphore, #tpu.memory_space<semaphore_mem>> -> memref<!tpu.dma_semaphore, #tpu.memory_space<semaphore_mem>>
    tpu.wait_indirect_dma semaphore(%dma_wait3A_224 : memref<!tpu.dma_semaphore, #tpu.memory_space<semaphore_mem>>) src(%dma_wait3A_222 : memref<1000000x64xf32, #tpu.memory_space<hbm>>) dst(%dma_wait3A_217 : memref<128x64xf32, #tpu.memory_space<vmem>>)
    %add3A_225 = arith.constant 384 : i32
    %add3A_226 = arith.addi %mul3A_2, %add3A_225 : i32
    %dma_start3A_227 = arith.constant 3 : i32
    %dma_start3A_228 = arith.constant 3 : i32
    %dma_start3A_229 = arith.constant 0 : i32
    %dma_start3A_230 = arith.constant 0 : i32
    %dma_start3A_231 = tpu.memref_slice %arg6[%dma_start3A_227, %dma_start3A_229, %dma_start3A_230] : memref<8x128x64xf32, #tpu.memory_space<vmem>> -> memref<1x128x64xf32, #tpu.memory_space<vmem>>
    %dma_start3A_232 = tpu.memref_squeeze %dma_start3A_231 : memref<1x128x64xf32, #tpu.memory_space<vmem>> -> memref<128x64xf32, #tpu.memory_space<vmem>>
    %dma_start3A_233 = arith.constant 0 : i32
    %dma_start3A_234 = tpu.memref_slice %arg4[%add3A_226, %dma_start3A_233] : memref<819200x64xf32, #tpu.memory_space<hbm>> -> memref<128x64xf32, #tpu.memory_space<hbm>>
    %dma_start3A_235 = tpu.memref_slice %arg8[%dma_start3A_228] : memref<8x!tpu.dma_semaphore, #tpu.memory_space<semaphore_mem>> -> memref<1x!tpu.dma_semaphore, #tpu.memory_space<semaphore_mem>>
    %dma_start3A_236 = tpu.memref_squeeze %dma_start3A_235 : memref<1x!tpu.dma_semaphore, #tpu.memory_space<semaphore_mem>> -> memref<!tpu.dma_semaphore, #tpu.memory_space<semaphore_mem>>
    %dma_start3A_237 = arith.constant 0 : i32
    %dma_start3A_238 = tpu.memref_slice %arg4[%add3A_226, %dma_start3A_237] : memref<819200x64xf32, #tpu.memory_space<hbm>> -> memref<128x64xf32, #tpu.memory_space<hbm>>
    %dma_start3A_239 = arith.constant 0 : i32
    %dma_start3A_240 = arith.constant 0 : i32
    %dma_start3A_241 = tpu.memref_slice %arg6[%dma_start3A_227, %dma_start3A_239, %dma_start3A_240] : memref<8x128x64xf32, #tpu.memory_space<vmem>> -> memref<1x128x64xf32, #tpu.memory_space<vmem>>
    %dma_start3A_242 = tpu.memref_squeeze %dma_start3A_241 : memref<1x128x64xf32, #tpu.memory_space<vmem>> -> memref<128x64xf32, #tpu.memory_space<vmem>>
    tpu.enqueue_dma source(%dma_start3A_242 : memref<128x64xf32, #tpu.memory_space<vmem>>) target(%dma_start3A_238 : memref<128x64xf32, #tpu.memory_space<hbm>>) target_semaphore(%dma_start3A_236 : memref<!tpu.dma_semaphore, #tpu.memory_space<semaphore_mem>>)
    %scan3A = arith.constant 0 : i32
    %scan3A_243 = arith.constant 0 : i32
    %scan3A_244 = arith.constant 24 : i32
    %scan3A_245 = arith.addi %scan3A_243, %scan3A_244 : i32
    %scan3A_246 = arith.constant 1 : i32
    scf.for %scan3A_500 = %scan3A_243 to %scan3A_245 step %scan3A_246  : i32 {
      %mul3A_501 = arith.constant 8 : i32
      %mul3A_502 = arith.muli %scan3A_500, %mul3A_501 : i32
      %add3A_503 = arith.constant 4 : i32
      %add3A_504 = arith.addi %add3A_503, %mul3A_502 : i32
      %add3A_505 = arith.constant 0 : i32
      %add3A_506 = arith.addi %add3A_504, %add3A_505 : i32
      %dma_wait3A_507 = arith.constant 0 : i32
      %dma_wait3A_508 = arith.constant 0 : i32
      %dma_wait3A_509 = arith.constant 0 : i32
      %dma_wait3A_510 = arith.constant 0 : i32
      %dma_wait3A_511 = tpu.memref_slice %arg6[%dma_wait3A_507, %dma_wait3A_509, %dma_wait3A_510] : memref<8x128x64xf32, #tpu.memory_space<vmem>> -> memref<1x128x64xf32, #tpu.memory_space<vmem>>
      %dma_wait3A_512 = tpu.memref_squeeze %dma_wait3A_511 : memref<1x128x64xf32, #tpu.memory_space<vmem>> -> memref<128x64xf32, #tpu.memory_space<vmem>>
      %dma_wait3A_513 = arith.constant 0 : i32
      %dma_wait3A_514 = tpu.memref_slice %arg4[%mul3A_2, %dma_wait3A_513] : memref<819200x64xf32, #tpu.memory_space<hbm>> -> memref<128x64xf32, #tpu.memory_space<hbm>>
      %dma_wait3A_515 = tpu.memref_slice %arg8[%dma_wait3A_508] : memref<8x!tpu.dma_semaphore, #tpu.memory_space<semaphore_mem>> -> memref<1x!tpu.dma_semaphore, #tpu.memory_space<semaphore_mem>>
      %dma_wait3A_516 = tpu.memref_squeeze %dma_wait3A_515 : memref<1x!tpu.dma_semaphore, #tpu.memory_space<semaphore_mem>> -> memref<!tpu.dma_semaphore, #tpu.memory_space<semaphore_mem>>
      %dma_wait3A_517 = arith.constant 0 : i32
      %dma_wait3A_518 = tpu.memref_slice %arg4[%mul3A_2, %dma_wait3A_517] : memref<819200x64xf32, #tpu.memory_space<hbm>> -> memref<128x64xf32, #tpu.memory_space<hbm>>
      %dma_wait3A_519 = arith.constant 0 : i32
      %dma_wait3A_520 = arith.constant 0 : i32
      %dma_wait3A_521 = tpu.memref_slice %arg6[%dma_wait3A_507, %dma_wait3A_519, %dma_wait3A_520] : memref<8x128x64xf32, #tpu.memory_space<vmem>> -> memref<1x128x64xf32, #tpu.memory_space<vmem>>
      %dma_wait3A_522 = tpu.memref_squeeze %dma_wait3A_521 : memref<1x128x64xf32, #tpu.memory_space<vmem>> -> memref<128x64xf32, #tpu.memory_space<vmem>>
      tpu.wait_dma2 semaphore(%dma_wait3A_516 : memref<!tpu.dma_semaphore, #tpu.memory_space<semaphore_mem>>) src(%dma_wait3A_522 : memref<128x64xf32, #tpu.memory_space<vmem>>) dst(%dma_wait3A_518 : memref<128x64xf32, #tpu.memory_space<hbm>>)
      %add3A_523 = arith.constant 4 : i32
      %add3A_524 = arith.addi %add3A_506, %add3A_523 : i32
      %mul3A_525 = arith.constant 128 : i32
      %mul3A_526 = arith.muli %add3A_524, %mul3A_525 : i32
      %dma_start3A_527 = arith.constant 0 : i32
      %dma_start3A_528 = arith.constant 0 : i32
      %dma_start3A_529 = arith.constant 0 : i32
      %dma_start3A_530 = arith.constant 0 : i32
      %dma_start3A_531 = tpu.memref_slice %arg6[%dma_start3A_527, %dma_start3A_529, %dma_start3A_530] : memref<8x128x64xf32, #tpu.memory_space<vmem>> -> memref<1x128x64xf32, #tpu.memory_space<vmem>>
      %dma_start3A_532 = tpu.memref_squeeze %dma_start3A_531 : memref<1x128x64xf32, #tpu.memory_space<vmem>> -> memref<128x64xf32, #tpu.memory_space<vmem>>
      %dma_start3A_533 = tpu.memref_slice %arg5[%mul3A_526] : memref<25600xi32, #tpu.memory_space<vmem>> -> memref<128xi32, #tpu.memory_space<vmem>>
      %dma_start3A_534 = arith.constant 0 : i32
      %dma_start3A_535 = arith.constant 0 : i32
      %dma_start3A_536 = tpu.memref_slice %arg3[%dma_start3A_534, %dma_start3A_535] : memref<1000000x64xf32, #tpu.memory_space<hbm>> -> memref<1000000x64xf32, #tpu.memory_space<hbm>>
      %dma_start3A_537 = tpu.memref_slice %arg7[%dma_start3A_528] : memref<8x!tpu.dma_semaphore, #tpu.memory_space<semaphore_mem>> -> memref<1x!tpu.dma_semaphore, #tpu.memory_space<semaphore_mem>>
      %dma_start3A_538 = tpu.memref_squeeze %dma_start3A_537 : memref<1x!tpu.dma_semaphore, #tpu.memory_space<semaphore_mem>> -> memref<!tpu.dma_semaphore, #tpu.memory_space<semaphore_mem>>
      tpu.enqueue_indirect_dma source(%dma_start3A_536 : memref<1000000x64xf32, #tpu.memory_space<hbm>>) target(%dma_start3A_532 : memref<128x64xf32, #tpu.memory_space<vmem>>) offsets(%dma_start3A_533 : memref<128xi32, #tpu.memory_space<vmem>>) semaphore(%dma_start3A_538 : memref<!tpu.dma_semaphore, #tpu.memory_space<semaphore_mem>>)
      %dma_wait3A_539 = arith.constant 4 : i32
      %dma_wait3A_540 = arith.constant 4 : i32
      %dma_wait3A_541 = arith.constant 0 : i32
      %dma_wait3A_542 = arith.constant 0 : i32
      %dma_wait3A_543 = tpu.memref_slice %arg6[%dma_wait3A_539, %dma_wait3A_541, %dma_wait3A_542] : memref<8x128x64xf32, #tpu.memory_space<vmem>> -> memref<1x128x64xf32, #tpu.memory_space<vmem>>
      %dma_wait3A_544 = tpu.memref_squeeze %dma_wait3A_543 : memref<1x128x64xf32, #tpu.memory_space<vmem>> -> memref<128x64xf32, #tpu.memory_space<vmem>>
      %dma_wait3A_545 = arith.constant 0 : i32
      %dma_wait3A_546 = tpu.memref_slice %arg5[%dma_wait3A_545] : memref<25600xi32, #tpu.memory_space<vmem>> -> memref<128xi32, #tpu.memory_space<vmem>>
      %dma_wait3A_547 = arith.constant 0 : i32
      %dma_wait3A_548 = arith.constant 0 : i32
      %dma_wait3A_549 = tpu.memref_slice %arg3[%dma_wait3A_547, %dma_wait3A_548] : memref<1000000x64xf32, #tpu.memory_space<hbm>> -> memref<1000000x64xf32, #tpu.memory_space<hbm>>
      %dma_wait3A_550 = tpu.memref_slice %arg7[%dma_wait3A_540] : memref<8x!tpu.dma_semaphore, #tpu.memory_space<semaphore_mem>> -> memref<1x!tpu.dma_semaphore, #tpu.memory_space<semaphore_mem>>
      %dma_wait3A_551 = tpu.memref_squeeze %dma_wait3A_550 : memref<1x!tpu.dma_semaphore, #tpu.memory_space<semaphore_mem>> -> memref<!tpu.dma_semaphore, #tpu.memory_space<semaphore_mem>>
      tpu.wait_indirect_dma semaphore(%dma_wait3A_551 : memref<!tpu.dma_semaphore, #tpu.memory_space<semaphore_mem>>) src(%dma_wait3A_549 : memref<1000000x64xf32, #tpu.memory_space<hbm>>) dst(%dma_wait3A_544 : memref<128x64xf32, #tpu.memory_space<vmem>>)
      %mul3A_552 = arith.constant 128 : i32
      %mul3A_553 = arith.muli %add3A_506, %mul3A_552 : i32
      %add3A_554 = arith.addi %mul3A_2, %mul3A_553 : i32
      %dma_start3A_555 = arith.constant 4 : i32
      %dma_start3A_556 = arith.constant 4 : i32
      %dma_start3A_557 = arith.constant 0 : i32
      %dma_start3A_558 = arith.constant 0 : i32
      %dma_start3A_559 = tpu.memref_slice %arg6[%dma_start3A_555, %dma_start3A_557, %dma_start3A_558] : memref<8x128x64xf32, #tpu.memory_space<vmem>> -> memref<1x128x64xf32, #tpu.memory_space<vmem>>
      %dma_start3A_560 = tpu.memref_squeeze %dma_start3A_559 : memref<1x128x64xf32, #tpu.memory_space<vmem>> -> memref<128x64xf32, #tpu.memory_space<vmem>>
      %dma_start3A_561 = arith.constant 0 : i32
      %dma_start3A_562 = tpu.memref_slice %arg4[%add3A_554, %dma_start3A_561] : memref<819200x64xf32, #tpu.memory_space<hbm>> -> memref<128x64xf32, #tpu.memory_space<hbm>>
      %dma_start3A_563 = tpu.memref_slice %arg8[%dma_start3A_556] : memref<8x!tpu.dma_semaphore, #tpu.memory_space<semaphore_mem>> -> memref<1x!tpu.dma_semaphore, #tpu.memory_space<semaphore_mem>>
      %dma_start3A_564 = tpu.memref_squeeze %dma_start3A_563 : memref<1x!tpu.dma_semaphore, #tpu.memory_space<semaphore_mem>> -> memref<!tpu.dma_semaphore, #tpu.memory_space<semaphore_mem>>
      %dma_start3A_565 = arith.constant 0 : i32
      %dma_start3A_566 = tpu.memref_slice %arg4[%add3A_554, %dma_start3A_565] : memref<819200x64xf32, #tpu.memory_space<hbm>> -> memref<128x64xf32, #tpu.memory_space<hbm>>
      %dma_start3A_567 = arith.constant 0 : i32
      %dma_start3A_568 = arith.constant 0 : i32
      %dma_start3A_569 = tpu.memref_slice %arg6[%dma_start3A_555, %dma_start3A_567, %dma_start3A_568] : memref<8x128x64xf32, #tpu.memory_space<vmem>> -> memref<1x128x64xf32, #tpu.memory_space<vmem>>
      %dma_start3A_570 = tpu.memref_squeeze %dma_start3A_569 : memref<1x128x64xf32, #tpu.memory_space<vmem>> -> memref<128x64xf32, #tpu.memory_space<vmem>>
      tpu.enqueue_dma source(%dma_start3A_570 : memref<128x64xf32, #tpu.memory_space<vmem>>) target(%dma_start3A_566 : memref<128x64xf32, #tpu.memory_space<hbm>>) target_semaphore(%dma_start3A_564 : memref<!tpu.dma_semaphore, #tpu.memory_space<semaphore_mem>>)
      %add3A_571 = arith.constant 1 : i32
      %add3A_572 = arith.addi %add3A_504, %add3A_571 : i32
      %dma_wait3A_573 = arith.constant 1 : i32
      %dma_wait3A_574 = arith.constant 1 : i32
      %dma_wait3A_575 = arith.constant 0 : i32
      %dma_wait3A_576 = arith.constant 0 : i32
      %dma_wait3A_577 = tpu.memref_slice %arg6[%dma_wait3A_573, %dma_wait3A_575, %dma_wait3A_576] : memref<8x128x64xf32, #tpu.memory_space<vmem>> -> memref<1x128x64xf32, #tpu.memory_space<vmem>>
      %dma_wait3A_578 = tpu.memref_squeeze %dma_wait3A_577 : memref<1x128x64xf32, #tpu.memory_space<vmem>> -> memref<128x64xf32, #tpu.memory_space<vmem>>
      %dma_wait3A_579 = arith.constant 0 : i32
      %dma_wait3A_580 = tpu.memref_slice %arg4[%mul3A_2, %dma_wait3A_579] : memref<819200x64xf32, #tpu.memory_space<hbm>> -> memref<128x64xf32, #tpu.memory_space<hbm>>
      %dma_wait3A_581 = tpu.memref_slice %arg8[%dma_wait3A_574] : memref<8x!tpu.dma_semaphore, #tpu.memory_space<semaphore_mem>> -> memref<1x!tpu.dma_semaphore, #tpu.memory_space<semaphore_mem>>
      %dma_wait3A_582 = tpu.memref_squeeze %dma_wait3A_581 : memref<1x!tpu.dma_semaphore, #tpu.memory_space<semaphore_mem>> -> memref<!tpu.dma_semaphore, #tpu.memory_space<semaphore_mem>>
      %dma_wait3A_583 = arith.constant 0 : i32
      %dma_wait3A_584 = tpu.memref_slice %arg4[%mul3A_2, %dma_wait3A_583] : memref<819200x64xf32, #tpu.memory_space<hbm>> -> memref<128x64xf32, #tpu.memory_space<hbm>>
      %dma_wait3A_585 = arith.constant 0 : i32
      %dma_wait3A_586 = arith.constant 0 : i32
      %dma_wait3A_587 = tpu.memref_slice %arg6[%dma_wait3A_573, %dma_wait3A_585, %dma_wait3A_586] : memref<8x128x64xf32, #tpu.memory_space<vmem>> -> memref<1x128x64xf32, #tpu.memory_space<vmem>>
      %dma_wait3A_588 = tpu.memref_squeeze %dma_wait3A_587 : memref<1x128x64xf32, #tpu.memory_space<vmem>> -> memref<128x64xf32, #tpu.memory_space<vmem>>
      tpu.wait_dma2 semaphore(%dma_wait3A_582 : memref<!tpu.dma_semaphore, #tpu.memory_space<semaphore_mem>>) src(%dma_wait3A_588 : memref<128x64xf32, #tpu.memory_space<vmem>>) dst(%dma_wait3A_584 : memref<128x64xf32, #tpu.memory_space<hbm>>)
      %add3A_589 = arith.constant 4 : i32
      %add3A_590 = arith.addi %add3A_572, %add3A_589 : i32
      %mul3A_591 = arith.constant 128 : i32
      %mul3A_592 = arith.muli %add3A_590, %mul3A_591 : i32
      %dma_start3A_593 = arith.constant 1 : i32
      %dma_start3A_594 = arith.constant 1 : i32
      %dma_start3A_595 = arith.constant 0 : i32
      %dma_start3A_596 = arith.constant 0 : i32
      %dma_start3A_597 = tpu.memref_slice %arg6[%dma_start3A_593, %dma_start3A_595, %dma_start3A_596] : memref<8x128x64xf32, #tpu.memory_space<vmem>> -> memref<1x128x64xf32, #tpu.memory_space<vmem>>
      %dma_start3A_598 = tpu.memref_squeeze %dma_start3A_597 : memref<1x128x64xf32, #tpu.memory_space<vmem>> -> memref<128x64xf32, #tpu.memory_space<vmem>>
      %dma_start3A_599 = tpu.memref_slice %arg5[%mul3A_592] : memref<25600xi32, #tpu.memory_space<vmem>> -> memref<128xi32, #tpu.memory_space<vmem>>
      %dma_start3A_600 = arith.constant 0 : i32
      %dma_start3A_601 = arith.constant 0 : i32
      %dma_start3A_602 = tpu.memref_slice %arg3[%dma_start3A_600, %dma_start3A_601] : memref<1000000x64xf32, #tpu.memory_space<hbm>> -> memref<1000000x64xf32, #tpu.memory_space<hbm>>
      %dma_start3A_603 = tpu.memref_slice %arg7[%dma_start3A_594] : memref<8x!tpu.dma_semaphore, #tpu.memory_space<semaphore_mem>> -> memref<1x!tpu.dma_semaphore, #tpu.memory_space<semaphore_mem>>
      %dma_start3A_604 = tpu.memref_squeeze %dma_start3A_603 : memref<1x!tpu.dma_semaphore, #tpu.memory_space<semaphore_mem>> -> memref<!tpu.dma_semaphore, #tpu.memory_space<semaphore_mem>>
      tpu.enqueue_indirect_dma source(%dma_start3A_602 : memref<1000000x64xf32, #tpu.memory_space<hbm>>) target(%dma_start3A_598 : memref<128x64xf32, #tpu.memory_space<vmem>>) offsets(%dma_start3A_599 : memref<128xi32, #tpu.memory_space<vmem>>) semaphore(%dma_start3A_604 : memref<!tpu.dma_semaphore, #tpu.memory_space<semaphore_mem>>)
      %dma_wait3A_605 = arith.constant 5 : i32
      %dma_wait3A_606 = arith.constant 5 : i32
      %dma_wait3A_607 = arith.constant 0 : i32
      %dma_wait3A_608 = arith.constant 0 : i32
      %dma_wait3A_609 = tpu.memref_slice %arg6[%dma_wait3A_605, %dma_wait3A_607, %dma_wait3A_608] : memref<8x128x64xf32, #tpu.memory_space<vmem>> -> memref<1x128x64xf32, #tpu.memory_space<vmem>>
      %dma_wait3A_610 = tpu.memref_squeeze %dma_wait3A_609 : memref<1x128x64xf32, #tpu.memory_space<vmem>> -> memref<128x64xf32, #tpu.memory_space<vmem>>
      %dma_wait3A_611 = arith.constant 0 : i32
      %dma_wait3A_612 = tpu.memref_slice %arg5[%dma_wait3A_611] : memref<25600xi32, #tpu.memory_space<vmem>> -> memref<128xi32, #tpu.memory_space<vmem>>
      %dma_wait3A_613 = arith.constant 0 : i32
      %dma_wait3A_614 = arith.constant 0 : i32
      %dma_wait3A_615 = tpu.memref_slice %arg3[%dma_wait3A_613, %dma_wait3A_614] : memref<1000000x64xf32, #tpu.memory_space<hbm>> -> memref<1000000x64xf32, #tpu.memory_space<hbm>>
      %dma_wait3A_616 = tpu.memref_slice %arg7[%dma_wait3A_606] : memref<8x!tpu.dma_semaphore, #tpu.memory_space<semaphore_mem>> -> memref<1x!tpu.dma_semaphore, #tpu.memory_space<semaphore_mem>>
      %dma_wait3A_617 = tpu.memref_squeeze %dma_wait3A_616 : memref<1x!tpu.dma_semaphore, #tpu.memory_space<semaphore_mem>> -> memref<!tpu.dma_semaphore, #tpu.memory_space<semaphore_mem>>
      tpu.wait_indirect_dma semaphore(%dma_wait3A_617 : memref<!tpu.dma_semaphore, #tpu.memory_space<semaphore_mem>>) src(%dma_wait3A_615 : memref<1000000x64xf32, #tpu.memory_space<hbm>>) dst(%dma_wait3A_610 : memref<128x64xf32, #tpu.memory_space<vmem>>)
      %mul3A_618 = arith.constant 128 : i32
      %mul3A_619 = arith.muli %add3A_572, %mul3A_618 : i32
      %add3A_620 = arith.addi %mul3A_2, %mul3A_619 : i32
      %dma_start3A_621 = arith.constant 5 : i32
      %dma_start3A_622 = arith.constant 5 : i32
      %dma_start3A_623 = arith.constant 0 : i32
      %dma_start3A_624 = arith.constant 0 : i32
      %dma_start3A_625 = tpu.memref_slice %arg6[%dma_start3A_621, %dma_start3A_623, %dma_start3A_624] : memref<8x128x64xf32, #tpu.memory_space<vmem>> -> memref<1x128x64xf32, #tpu.memory_space<vmem>>
      %dma_start3A_626 = tpu.memref_squeeze %dma_start3A_625 : memref<1x128x64xf32, #tpu.memory_space<vmem>> -> memref<128x64xf32, #tpu.memory_space<vmem>>
      %dma_start3A_627 = arith.constant 0 : i32
      %dma_start3A_628 = tpu.memref_slice %arg4[%add3A_620, %dma_start3A_627] : memref<819200x64xf32, #tpu.memory_space<hbm>> -> memref<128x64xf32, #tpu.memory_space<hbm>>
      %dma_start3A_629 = tpu.memref_slice %arg8[%dma_start3A_622] : memref<8x!tpu.dma_semaphore, #tpu.memory_space<semaphore_mem>> -> memref<1x!tpu.dma_semaphore, #tpu.memory_space<semaphore_mem>>
      %dma_start3A_630 = tpu.memref_squeeze %dma_start3A_629 : memref<1x!tpu.dma_semaphore, #tpu.memory_space<semaphore_mem>> -> memref<!tpu.dma_semaphore, #tpu.memory_space<semaphore_mem>>
      %dma_start3A_631 = arith.constant 0 : i32
      %dma_start3A_632 = tpu.memref_slice %arg4[%add3A_620, %dma_start3A_631] : memref<819200x64xf32, #tpu.memory_space<hbm>> -> memref<128x64xf32, #tpu.memory_space<hbm>>
      %dma_start3A_633 = arith.constant 0 : i32
      %dma_start3A_634 = arith.constant 0 : i32
      %dma_start3A_635 = tpu.memref_slice %arg6[%dma_start3A_621, %dma_start3A_633, %dma_start3A_634] : memref<8x128x64xf32, #tpu.memory_space<vmem>> -> memref<1x128x64xf32, #tpu.memory_space<vmem>>
      %dma_start3A_636 = tpu.memref_squeeze %dma_start3A_635 : memref<1x128x64xf32, #tpu.memory_space<vmem>> -> memref<128x64xf32, #tpu.memory_space<vmem>>
      tpu.enqueue_dma source(%dma_start3A_636 : memref<128x64xf32, #tpu.memory_space<vmem>>) target(%dma_start3A_632 : memref<128x64xf32, #tpu.memory_space<hbm>>) target_semaphore(%dma_start3A_630 : memref<!tpu.dma_semaphore, #tpu.memory_space<semaphore_mem>>)
      %add3A_637 = arith.constant 2 : i32
      %add3A_638 = arith.addi %add3A_504, %add3A_637 : i32
      %dma_wait3A_639 = arith.constant 2 : i32
      %dma_wait3A_640 = arith.constant 2 : i32
      %dma_wait3A_641 = arith.constant 0 : i32
      %dma_wait3A_642 = arith.constant 0 : i32
      %dma_wait3A_643 = tpu.memref_slice %arg6[%dma_wait3A_639, %dma_wait3A_641, %dma_wait3A_642] : memref<8x128x64xf32, #tpu.memory_space<vmem>> -> memref<1x128x64xf32, #tpu.memory_space<vmem>>
      %dma_wait3A_644 = tpu.memref_squeeze %dma_wait3A_643 : memref<1x128x64xf32, #tpu.memory_space<vmem>> -> memref<128x64xf32, #tpu.memory_space<vmem>>
      %dma_wait3A_645 = arith.constant 0 : i32
      %dma_wait3A_646 = tpu.memref_slice %arg4[%mul3A_2, %dma_wait3A_645] : memref<819200x64xf32, #tpu.memory_space<hbm>> -> memref<128x64xf32, #tpu.memory_space<hbm>>
      %dma_wait3A_647 = tpu.memref_slice %arg8[%dma_wait3A_640] : memref<8x!tpu.dma_semaphore, #tpu.memory_space<semaphore_mem>> -> memref<1x!tpu.dma_semaphore, #tpu.memory_space<semaphore_mem>>
      %dma_wait3A_648 = tpu.memref_squeeze %dma_wait3A_647 : memref<1x!tpu.dma_semaphore, #tpu.memory_space<semaphore_mem>> -> memref<!tpu.dma_semaphore, #tpu.memory_space<semaphore_mem>>
      %dma_wait3A_649 = arith.constant 0 : i32
      %dma_wait3A_650 = tpu.memref_slice %arg4[%mul3A_2, %dma_wait3A_649] : memref<819200x64xf32, #tpu.memory_space<hbm>> -> memref<128x64xf32, #tpu.memory_space<hbm>>
      %dma_wait3A_651 = arith.constant 0 : i32
      %dma_wait3A_652 = arith.constant 0 : i32
      %dma_wait3A_653 = tpu.memref_slice %arg6[%dma_wait3A_639, %dma_wait3A_651, %dma_wait3A_652] : memref<8x128x64xf32, #tpu.memory_space<vmem>> -> memref<1x128x64xf32, #tpu.memory_space<vmem>>
      %dma_wait3A_654 = tpu.memref_squeeze %dma_wait3A_653 : memref<1x128x64xf32, #tpu.memory_space<vmem>> -> memref<128x64xf32, #tpu.memory_space<vmem>>
      tpu.wait_dma2 semaphore(%dma_wait3A_648 : memref<!tpu.dma_semaphore, #tpu.memory_space<semaphore_mem>>) src(%dma_wait3A_654 : memref<128x64xf32, #tpu.memory_space<vmem>>) dst(%dma_wait3A_650 : memref<128x64xf32, #tpu.memory_space<hbm>>)
      %add3A_655 = arith.constant 4 : i32
      %add3A_656 = arith.addi %add3A_638, %add3A_655 : i32
      %mul3A_657 = arith.constant 128 : i32
      %mul3A_658 = arith.muli %add3A_656, %mul3A_657 : i32
      %dma_start3A_659 = arith.constant 2 : i32
      %dma_start3A_660 = arith.constant 2 : i32
      %dma_start3A_661 = arith.constant 0 : i32
      %dma_start3A_662 = arith.constant 0 : i32
      %dma_start3A_663 = tpu.memref_slice %arg6[%dma_start3A_659, %dma_start3A_661, %dma_start3A_662] : memref<8x128x64xf32, #tpu.memory_space<vmem>> -> memref<1x128x64xf32, #tpu.memory_space<vmem>>
      %dma_start3A_664 = tpu.memref_squeeze %dma_start3A_663 : memref<1x128x64xf32, #tpu.memory_space<vmem>> -> memref<128x64xf32, #tpu.memory_space<vmem>>
      %dma_start3A_665 = tpu.memref_slice %arg5[%mul3A_658] : memref<25600xi32, #tpu.memory_space<vmem>> -> memref<128xi32, #tpu.memory_space<vmem>>
      %dma_start3A_666 = arith.constant 0 : i32
      %dma_start3A_667 = arith.constant 0 : i32
      %dma_start3A_668 = tpu.memref_slice %arg3[%dma_start3A_666, %dma_start3A_667] : memref<1000000x64xf32, #tpu.memory_space<hbm>> -> memref<1000000x64xf32, #tpu.memory_space<hbm>>
      %dma_start3A_669 = tpu.memref_slice %arg7[%dma_start3A_660] : memref<8x!tpu.dma_semaphore, #tpu.memory_space<semaphore_mem>> -> memref<1x!tpu.dma_semaphore, #tpu.memory_space<semaphore_mem>>
      %dma_start3A_670 = tpu.memref_squeeze %dma_start3A_669 : memref<1x!tpu.dma_semaphore, #tpu.memory_space<semaphore_mem>> -> memref<!tpu.dma_semaphore, #tpu.memory_space<semaphore_mem>>
      tpu.enqueue_indirect_dma source(%dma_start3A_668 : memref<1000000x64xf32, #tpu.memory_space<hbm>>) target(%dma_start3A_664 : memref<128x64xf32, #tpu.memory_space<vmem>>) offsets(%dma_start3A_665 : memref<128xi32, #tpu.memory_space<vmem>>) semaphore(%dma_start3A_670 : memref<!tpu.dma_semaphore, #tpu.memory_space<semaphore_mem>>)
      %dma_wait3A_671 = arith.constant 6 : i32
      %dma_wait3A_672 = arith.constant 6 : i32
      %dma_wait3A_673 = arith.constant 0 : i32
      %dma_wait3A_674 = arith.constant 0 : i32
      %dma_wait3A_675 = tpu.memref_slice %arg6[%dma_wait3A_671, %dma_wait3A_673, %dma_wait3A_674] : memref<8x128x64xf32, #tpu.memory_space<vmem>> -> memref<1x128x64xf32, #tpu.memory_space<vmem>>
      %dma_wait3A_676 = tpu.memref_squeeze %dma_wait3A_675 : memref<1x128x64xf32, #tpu.memory_space<vmem>> -> memref<128x64xf32, #tpu.memory_space<vmem>>
      %dma_wait3A_677 = arith.constant 0 : i32
      %dma_wait3A_678 = tpu.memref_slice %arg5[%dma_wait3A_677] : memref<25600xi32, #tpu.memory_space<vmem>> -> memref<128xi32, #tpu.memory_space<vmem>>
      %dma_wait3A_679 = arith.constant 0 : i32
      %dma_wait3A_680 = arith.constant 0 : i32
      %dma_wait3A_681 = tpu.memref_slice %arg3[%dma_wait3A_679, %dma_wait3A_680] : memref<1000000x64xf32, #tpu.memory_space<hbm>> -> memref<1000000x64xf32, #tpu.memory_space<hbm>>
      %dma_wait3A_682 = tpu.memref_slice %arg7[%dma_wait3A_672] : memref<8x!tpu.dma_semaphore, #tpu.memory_space<semaphore_mem>> -> memref<1x!tpu.dma_semaphore, #tpu.memory_space<semaphore_mem>>
      %dma_wait3A_683 = tpu.memref_squeeze %dma_wait3A_682 : memref<1x!tpu.dma_semaphore, #tpu.memory_space<semaphore_mem>> -> memref<!tpu.dma_semaphore, #tpu.memory_space<semaphore_mem>>
      tpu.wait_indirect_dma semaphore(%dma_wait3A_683 : memref<!tpu.dma_semaphore, #tpu.memory_space<semaphore_mem>>) src(%dma_wait3A_681 : memref<1000000x64xf32, #tpu.memory_space<hbm>>) dst(%dma_wait3A_676 : memref<128x64xf32, #tpu.memory_space<vmem>>)
      %mul3A_684 = arith.constant 128 : i32
      %mul3A_685 = arith.muli %add3A_638, %mul3A_684 : i32
      %add3A_686 = arith.addi %mul3A_2, %mul3A_685 : i32
      %dma_start3A_687 = arith.constant 6 : i32
      %dma_start3A_688 = arith.constant 6 : i32
      %dma_start3A_689 = arith.constant 0 : i32
      %dma_start3A_690 = arith.constant 0 : i32
      %dma_start3A_691 = tpu.memref_slice %arg6[%dma_start3A_687, %dma_start3A_689, %dma_start3A_690] : memref<8x128x64xf32, #tpu.memory_space<vmem>> -> memref<1x128x64xf32, #tpu.memory_space<vmem>>
      %dma_start3A_692 = tpu.memref_squeeze %dma_start3A_691 : memref<1x128x64xf32, #tpu.memory_space<vmem>> -> memref<128x64xf32, #tpu.memory_space<vmem>>
      %dma_start3A_693 = arith.constant 0 : i32
      %dma_start3A_694 = tpu.memref_slice %arg4[%add3A_686, %dma_start3A_693] : memref<819200x64xf32, #tpu.memory_space<hbm>> -> memref<128x64xf32, #tpu.memory_space<hbm>>
      %dma_start3A_695 = tpu.memref_slice %arg8[%dma_start3A_688] : memref<8x!tpu.dma_semaphore, #tpu.memory_space<semaphore_mem>> -> memref<1x!tpu.dma_semaphore, #tpu.memory_space<semaphore_mem>>
      %dma_start3A_696 = tpu.memref_squeeze %dma_start3A_695 : memref<1x!tpu.dma_semaphore, #tpu.memory_space<semaphore_mem>> -> memref<!tpu.dma_semaphore, #tpu.memory_space<semaphore_mem>>
      %dma_start3A_697 = arith.constant 0 : i32
      %dma_start3A_698 = tpu.memref_slice %arg4[%add3A_686, %dma_start3A_697] : memref<819200x64xf32, #tpu.memory_space<hbm>> -> memref<128x64xf32, #tpu.memory_space<hbm>>
      %dma_start3A_699 = arith.constant 0 : i32
      %dma_start3A_700 = arith.constant 0 : i32
      %dma_start3A_701 = tpu.memref_slice %arg6[%dma_start3A_687, %dma_start3A_699, %dma_start3A_700] : memref<8x128x64xf32, #tpu.memory_space<vmem>> -> memref<1x128x64xf32, #tpu.memory_space<vmem>>
      %dma_start3A_702 = tpu.memref_squeeze %dma_start3A_701 : memref<1x128x64xf32, #tpu.memory_space<vmem>> -> memref<128x64xf32, #tpu.memory_space<vmem>>
      tpu.enqueue_dma source(%dma_start3A_702 : memref<128x64xf32, #tpu.memory_space<vmem>>) target(%dma_start3A_698 : memref<128x64xf32, #tpu.memory_space<hbm>>) target_semaphore(%dma_start3A_696 : memref<!tpu.dma_semaphore, #tpu.memory_space<semaphore_mem>>)
      %add3A_703 = arith.constant 3 : i32
      %add3A_704 = arith.addi %add3A_504, %add3A_703 : i32
      %dma_wait3A_705 = arith.constant 3 : i32
      %dma_wait3A_706 = arith.constant 3 : i32
      %dma_wait3A_707 = arith.constant 0 : i32
      %dma_wait3A_708 = arith.constant 0 : i32
      %dma_wait3A_709 = tpu.memref_slice %arg6[%dma_wait3A_705, %dma_wait3A_707, %dma_wait3A_708] : memref<8x128x64xf32, #tpu.memory_space<vmem>> -> memref<1x128x64xf32, #tpu.memory_space<vmem>>
      %dma_wait3A_710 = tpu.memref_squeeze %dma_wait3A_709 : memref<1x128x64xf32, #tpu.memory_space<vmem>> -> memref<128x64xf32, #tpu.memory_space<vmem>>
      %dma_wait3A_711 = arith.constant 0 : i32
      %dma_wait3A_712 = tpu.memref_slice %arg4[%mul3A_2, %dma_wait3A_711] : memref<819200x64xf32, #tpu.memory_space<hbm>> -> memref<128x64xf32, #tpu.memory_space<hbm>>
      %dma_wait3A_713 = tpu.memref_slice %arg8[%dma_wait3A_706] : memref<8x!tpu.dma_semaphore, #tpu.memory_space<semaphore_mem>> -> memref<1x!tpu.dma_semaphore, #tpu.memory_space<semaphore_mem>>
      %dma_wait3A_714 = tpu.memref_squeeze %dma_wait3A_713 : memref<1x!tpu.dma_semaphore, #tpu.memory_space<semaphore_mem>> -> memref<!tpu.dma_semaphore, #tpu.memory_space<semaphore_mem>>
      %dma_wait3A_715 = arith.constant 0 : i32
      %dma_wait3A_716 = tpu.memref_slice %arg4[%mul3A_2, %dma_wait3A_715] : memref<819200x64xf32, #tpu.memory_space<hbm>> -> memref<128x64xf32, #tpu.memory_space<hbm>>
      %dma_wait3A_717 = arith.constant 0 : i32
      %dma_wait3A_718 = arith.constant 0 : i32
      %dma_wait3A_719 = tpu.memref_slice %arg6[%dma_wait3A_705, %dma_wait3A_717, %dma_wait3A_718] : memref<8x128x64xf32, #tpu.memory_space<vmem>> -> memref<1x128x64xf32, #tpu.memory_space<vmem>>
      %dma_wait3A_720 = tpu.memref_squeeze %dma_wait3A_719 : memref<1x128x64xf32, #tpu.memory_space<vmem>> -> memref<128x64xf32, #tpu.memory_space<vmem>>
      tpu.wait_dma2 semaphore(%dma_wait3A_714 : memref<!tpu.dma_semaphore, #tpu.memory_space<semaphore_mem>>) src(%dma_wait3A_720 : memref<128x64xf32, #tpu.memory_space<vmem>>) dst(%dma_wait3A_716 : memref<128x64xf32, #tpu.memory_space<hbm>>)
      %add3A_721 = arith.constant 4 : i32
      %add3A_722 = arith.addi %add3A_704, %add3A_721 : i32
      %mul3A_723 = arith.constant 128 : i32
      %mul3A_724 = arith.muli %add3A_722, %mul3A_723 : i32
      %dma_start3A_725 = arith.constant 3 : i32
      %dma_start3A_726 = arith.constant 3 : i32
      %dma_start3A_727 = arith.constant 0 : i32
      %dma_start3A_728 = arith.constant 0 : i32
      %dma_start3A_729 = tpu.memref_slice %arg6[%dma_start3A_725, %dma_start3A_727, %dma_start3A_728] : memref<8x128x64xf32, #tpu.memory_space<vmem>> -> memref<1x128x64xf32, #tpu.memory_space<vmem>>
      %dma_start3A_730 = tpu.memref_squeeze %dma_start3A_729 : memref<1x128x64xf32, #tpu.memory_space<vmem>> -> memref<128x64xf32, #tpu.memory_space<vmem>>
      %dma_start3A_731 = tpu.memref_slice %arg5[%mul3A_724] : memref<25600xi32, #tpu.memory_space<vmem>> -> memref<128xi32, #tpu.memory_space<vmem>>
      %dma_start3A_732 = arith.constant 0 : i32
      %dma_start3A_733 = arith.constant 0 : i32
      %dma_start3A_734 = tpu.memref_slice %arg3[%dma_start3A_732, %dma_start3A_733] : memref<1000000x64xf32, #tpu.memory_space<hbm>> -> memref<1000000x64xf32, #tpu.memory_space<hbm>>
      %dma_start3A_735 = tpu.memref_slice %arg7[%dma_start3A_726] : memref<8x!tpu.dma_semaphore, #tpu.memory_space<semaphore_mem>> -> memref<1x!tpu.dma_semaphore, #tpu.memory_space<semaphore_mem>>
      %dma_start3A_736 = tpu.memref_squeeze %dma_start3A_735 : memref<1x!tpu.dma_semaphore, #tpu.memory_space<semaphore_mem>> -> memref<!tpu.dma_semaphore, #tpu.memory_space<semaphore_mem>>
      tpu.enqueue_indirect_dma source(%dma_start3A_734 : memref<1000000x64xf32, #tpu.memory_space<hbm>>) target(%dma_start3A_730 : memref<128x64xf32, #tpu.memory_space<vmem>>) offsets(%dma_start3A_731 : memref<128xi32, #tpu.memory_space<vmem>>) semaphore(%dma_start3A_736 : memref<!tpu.dma_semaphore, #tpu.memory_space<semaphore_mem>>)
      %dma_wait3A_737 = arith.constant 7 : i32
      %dma_wait3A_738 = arith.constant 7 : i32
      %dma_wait3A_739 = arith.constant 0 : i32
      %dma_wait3A_740 = arith.constant 0 : i32
      %dma_wait3A_741 = tpu.memref_slice %arg6[%dma_wait3A_737, %dma_wait3A_739, %dma_wait3A_740] : memref<8x128x64xf32, #tpu.memory_space<vmem>> -> memref<1x128x64xf32, #tpu.memory_space<vmem>>
      %dma_wait3A_742 = tpu.memref_squeeze %dma_wait3A_741 : memref<1x128x64xf32, #tpu.memory_space<vmem>> -> memref<128x64xf32, #tpu.memory_space<vmem>>
      %dma_wait3A_743 = arith.constant 0 : i32
      %dma_wait3A_744 = tpu.memref_slice %arg5[%dma_wait3A_743] : memref<25600xi32, #tpu.memory_space<vmem>> -> memref<128xi32, #tpu.memory_space<vmem>>
      %dma_wait3A_745 = arith.constant 0 : i32
      %dma_wait3A_746 = arith.constant 0 : i32
      %dma_wait3A_747 = tpu.memref_slice %arg3[%dma_wait3A_745, %dma_wait3A_746] : memref<1000000x64xf32, #tpu.memory_space<hbm>> -> memref<1000000x64xf32, #tpu.memory_space<hbm>>
      %dma_wait3A_748 = tpu.memref_slice %arg7[%dma_wait3A_738] : memref<8x!tpu.dma_semaphore, #tpu.memory_space<semaphore_mem>> -> memref<1x!tpu.dma_semaphore, #tpu.memory_space<semaphore_mem>>
      %dma_wait3A_749 = tpu.memref_squeeze %dma_wait3A_748 : memref<1x!tpu.dma_semaphore, #tpu.memory_space<semaphore_mem>> -> memref<!tpu.dma_semaphore, #tpu.memory_space<semaphore_mem>>
      tpu.wait_indirect_dma semaphore(%dma_wait3A_749 : memref<!tpu.dma_semaphore, #tpu.memory_space<semaphore_mem>>) src(%dma_wait3A_747 : memref<1000000x64xf32, #tpu.memory_space<hbm>>) dst(%dma_wait3A_742 : memref<128x64xf32, #tpu.memory_space<vmem>>)
      %mul3A_750 = arith.constant 128 : i32
      %mul3A_751 = arith.muli %add3A_704, %mul3A_750 : i32
      %add3A_752 = arith.addi %mul3A_2, %mul3A_751 : i32
      %dma_start3A_753 = arith.constant 7 : i32
      %dma_start3A_754 = arith.constant 7 : i32
      %dma_start3A_755 = arith.constant 0 : i32
      %dma_start3A_756 = arith.constant 0 : i32
      %dma_start3A_757 = tpu.memref_slice %arg6[%dma_start3A_753, %dma_start3A_755, %dma_start3A_756] : memref<8x128x64xf32, #tpu.memory_space<vmem>> -> memref<1x128x64xf32, #tpu.memory_space<vmem>>
      %dma_start3A_758 = tpu.memref_squeeze %dma_start3A_757 : memref<1x128x64xf32, #tpu.memory_space<vmem>> -> memref<128x64xf32, #tpu.memory_space<vmem>>
      %dma_start3A_759 = arith.constant 0 : i32
      %dma_start3A_760 = tpu.memref_slice %arg4[%add3A_752, %dma_start3A_759] : memref<819200x64xf32, #tpu.memory_space<hbm>> -> memref<128x64xf32, #tpu.memory_space<hbm>>
      %dma_start3A_761 = tpu.memref_slice %arg8[%dma_start3A_754] : memref<8x!tpu.dma_semaphore, #tpu.memory_space<semaphore_mem>> -> memref<1x!tpu.dma_semaphore, #tpu.memory_space<semaphore_mem>>
      %dma_start3A_762 = tpu.memref_squeeze %dma_start3A_761 : memref<1x!tpu.dma_semaphore, #tpu.memory_space<semaphore_mem>> -> memref<!tpu.dma_semaphore, #tpu.memory_space<semaphore_mem>>
      %dma_start3A_763 = arith.constant 0 : i32
      %dma_start3A_764 = tpu.memref_slice %arg4[%add3A_752, %dma_start3A_763] : memref<819200x64xf32, #tpu.memory_space<hbm>> -> memref<128x64xf32, #tpu.memory_space<hbm>>
      %dma_start3A_765 = arith.constant 0 : i32
      %dma_start3A_766 = arith.constant 0 : i32
      %dma_start3A_767 = tpu.memref_slice %arg6[%dma_start3A_753, %dma_start3A_765, %dma_start3A_766] : memref<8x128x64xf32, #tpu.memory_space<vmem>> -> memref<1x128x64xf32, #tpu.memory_space<vmem>>
      %dma_start3A_768 = tpu.memref_squeeze %dma_start3A_767 : memref<1x128x64xf32, #tpu.memory_space<vmem>> -> memref<128x64xf32, #tpu.memory_space<vmem>>
      tpu.enqueue_dma source(%dma_start3A_768 : memref<128x64xf32, #tpu.memory_space<vmem>>) target(%dma_start3A_764 : memref<128x64xf32, #tpu.memory_space<hbm>>) target_semaphore(%dma_start3A_762 : memref<!tpu.dma_semaphore, #tpu.memory_space<semaphore_mem>>)
      %add3A_769 = arith.constant 4 : i32
      %add3A_770 = arith.addi %add3A_504, %add3A_769 : i32
      %dma_wait3A_771 = arith.constant 4 : i32
      %dma_wait3A_772 = arith.constant 4 : i32
      %dma_wait3A_773 = arith.constant 0 : i32
      %dma_wait3A_774 = arith.constant 0 : i32
      %dma_wait3A_775 = tpu.memref_slice %arg6[%dma_wait3A_771, %dma_wait3A_773, %dma_wait3A_774] : memref<8x128x64xf32, #tpu.memory_space<vmem>> -> memref<1x128x64xf32, #tpu.memory_space<vmem>>
      %dma_wait3A_776 = tpu.memref_squeeze %dma_wait3A_775 : memref<1x128x64xf32, #tpu.memory_space<vmem>> -> memref<128x64xf32, #tpu.memory_space<vmem>>
      %dma_wait3A_777 = arith.constant 0 : i32
      %dma_wait3A_778 = tpu.memref_slice %arg4[%mul3A_2, %dma_wait3A_777] : memref<819200x64xf32, #tpu.memory_space<hbm>> -> memref<128x64xf32, #tpu.memory_space<hbm>>
      %dma_wait3A_779 = tpu.memref_slice %arg8[%dma_wait3A_772] : memref<8x!tpu.dma_semaphore, #tpu.memory_space<semaphore_mem>> -> memref<1x!tpu.dma_semaphore, #tpu.memory_space<semaphore_mem>>
      %dma_wait3A_780 = tpu.memref_squeeze %dma_wait3A_779 : memref<1x!tpu.dma_semaphore, #tpu.memory_space<semaphore_mem>> -> memref<!tpu.dma_semaphore, #tpu.memory_space<semaphore_mem>>
      %dma_wait3A_781 = arith.constant 0 : i32
      %dma_wait3A_782 = tpu.memref_slice %arg4[%mul3A_2, %dma_wait3A_781] : memref<819200x64xf32, #tpu.memory_space<hbm>> -> memref<128x64xf32, #tpu.memory_space<hbm>>
      %dma_wait3A_783 = arith.constant 0 : i32
      %dma_wait3A_784 = arith.constant 0 : i32
      %dma_wait3A_785 = tpu.memref_slice %arg6[%dma_wait3A_771, %dma_wait3A_783, %dma_wait3A_784] : memref<8x128x64xf32, #tpu.memory_space<vmem>> -> memref<1x128x64xf32, #tpu.memory_space<vmem>>
      %dma_wait3A_786 = tpu.memref_squeeze %dma_wait3A_785 : memref<1x128x64xf32, #tpu.memory_space<vmem>> -> memref<128x64xf32, #tpu.memory_space<vmem>>
      tpu.wait_dma2 semaphore(%dma_wait3A_780 : memref<!tpu.dma_semaphore, #tpu.memory_space<semaphore_mem>>) src(%dma_wait3A_786 : memref<128x64xf32, #tpu.memory_space<vmem>>) dst(%dma_wait3A_782 : memref<128x64xf32, #tpu.memory_space<hbm>>)
      %add3A_787 = arith.constant 4 : i32
      %add3A_788 = arith.addi %add3A_770, %add3A_787 : i32
      %mul3A_789 = arith.constant 128 : i32
      %mul3A_790 = arith.muli %add3A_788, %mul3A_789 : i32
      %dma_start3A_791 = arith.constant 4 : i32
      %dma_start3A_792 = arith.constant 4 : i32
      %dma_start3A_793 = arith.constant 0 : i32
      %dma_start3A_794 = arith.constant 0 : i32
      %dma_start3A_795 = tpu.memref_slice %arg6[%dma_start3A_791, %dma_start3A_793, %dma_start3A_794] : memref<8x128x64xf32, #tpu.memory_space<vmem>> -> memref<1x128x64xf32, #tpu.memory_space<vmem>>
      %dma_start3A_796 = tpu.memref_squeeze %dma_start3A_795 : memref<1x128x64xf32, #tpu.memory_space<vmem>> -> memref<128x64xf32, #tpu.memory_space<vmem>>
      %dma_start3A_797 = tpu.memref_slice %arg5[%mul3A_790] : memref<25600xi32, #tpu.memory_space<vmem>> -> memref<128xi32, #tpu.memory_space<vmem>>
      %dma_start3A_798 = arith.constant 0 : i32
      %dma_start3A_799 = arith.constant 0 : i32
      %dma_start3A_800 = tpu.memref_slice %arg3[%dma_start3A_798, %dma_start3A_799] : memref<1000000x64xf32, #tpu.memory_space<hbm>> -> memref<1000000x64xf32, #tpu.memory_space<hbm>>
      %dma_start3A_801 = tpu.memref_slice %arg7[%dma_start3A_792] : memref<8x!tpu.dma_semaphore, #tpu.memory_space<semaphore_mem>> -> memref<1x!tpu.dma_semaphore, #tpu.memory_space<semaphore_mem>>
      %dma_start3A_802 = tpu.memref_squeeze %dma_start3A_801 : memref<1x!tpu.dma_semaphore, #tpu.memory_space<semaphore_mem>> -> memref<!tpu.dma_semaphore, #tpu.memory_space<semaphore_mem>>
      tpu.enqueue_indirect_dma source(%dma_start3A_800 : memref<1000000x64xf32, #tpu.memory_space<hbm>>) target(%dma_start3A_796 : memref<128x64xf32, #tpu.memory_space<vmem>>) offsets(%dma_start3A_797 : memref<128xi32, #tpu.memory_space<vmem>>) semaphore(%dma_start3A_802 : memref<!tpu.dma_semaphore, #tpu.memory_space<semaphore_mem>>)
      %dma_wait3A_803 = arith.constant 0 : i32
      %dma_wait3A_804 = arith.constant 0 : i32
      %dma_wait3A_805 = arith.constant 0 : i32
      %dma_wait3A_806 = arith.constant 0 : i32
      %dma_wait3A_807 = tpu.memref_slice %arg6[%dma_wait3A_803, %dma_wait3A_805, %dma_wait3A_806] : memref<8x128x64xf32, #tpu.memory_space<vmem>> -> memref<1x128x64xf32, #tpu.memory_space<vmem>>
      %dma_wait3A_808 = tpu.memref_squeeze %dma_wait3A_807 : memref<1x128x64xf32, #tpu.memory_space<vmem>> -> memref<128x64xf32, #tpu.memory_space<vmem>>
      %dma_wait3A_809 = arith.constant 0 : i32
      %dma_wait3A_810 = tpu.memref_slice %arg5[%dma_wait3A_809] : memref<25600xi32, #tpu.memory_space<vmem>> -> memref<128xi32, #tpu.memory_space<vmem>>
      %dma_wait3A_811 = arith.constant 0 : i32
      %dma_wait3A_812 = arith.constant 0 : i32
      %dma_wait3A_813 = tpu.memref_slice %arg3[%dma_wait3A_811, %dma_wait3A_812] : memref<1000000x64xf32, #tpu.memory_space<hbm>> -> memref<1000000x64xf32, #tpu.memory_space<hbm>>
      %dma_wait3A_814 = tpu.memref_slice %arg7[%dma_wait3A_804] : memref<8x!tpu.dma_semaphore, #tpu.memory_space<semaphore_mem>> -> memref<1x!tpu.dma_semaphore, #tpu.memory_space<semaphore_mem>>
      %dma_wait3A_815 = tpu.memref_squeeze %dma_wait3A_814 : memref<1x!tpu.dma_semaphore, #tpu.memory_space<semaphore_mem>> -> memref<!tpu.dma_semaphore, #tpu.memory_space<semaphore_mem>>
      tpu.wait_indirect_dma semaphore(%dma_wait3A_815 : memref<!tpu.dma_semaphore, #tpu.memory_space<semaphore_mem>>) src(%dma_wait3A_813 : memref<1000000x64xf32, #tpu.memory_space<hbm>>) dst(%dma_wait3A_808 : memref<128x64xf32, #tpu.memory_space<vmem>>)
      %mul3A_816 = arith.constant 128 : i32
      %mul3A_817 = arith.muli %add3A_770, %mul3A_816 : i32
      %add3A_818 = arith.addi %mul3A_2, %mul3A_817 : i32
      %dma_start3A_819 = arith.constant 0 : i32
      %dma_start3A_820 = arith.constant 0 : i32
      %dma_start3A_821 = arith.constant 0 : i32
      %dma_start3A_822 = arith.constant 0 : i32
      %dma_start3A_823 = tpu.memref_slice %arg6[%dma_start3A_819, %dma_start3A_821, %dma_start3A_822] : memref<8x128x64xf32, #tpu.memory_space<vmem>> -> memref<1x128x64xf32, #tpu.memory_space<vmem>>
      %dma_start3A_824 = tpu.memref_squeeze %dma_start3A_823 : memref<1x128x64xf32, #tpu.memory_space<vmem>> -> memref<128x64xf32, #tpu.memory_space<vmem>>
      %dma_start3A_825 = arith.constant 0 : i32
      %dma_start3A_826 = tpu.memref_slice %arg4[%add3A_818, %dma_start3A_825] : memref<819200x64xf32, #tpu.memory_space<hbm>> -> memref<128x64xf32, #tpu.memory_space<hbm>>
      %dma_start3A_827 = tpu.memref_slice %arg8[%dma_start3A_820] : memref<8x!tpu.dma_semaphore, #tpu.memory_space<semaphore_mem>> -> memref<1x!tpu.dma_semaphore, #tpu.memory_space<semaphore_mem>>
      %dma_start3A_828 = tpu.memref_squeeze %dma_start3A_827 : memref<1x!tpu.dma_semaphore, #tpu.memory_space<semaphore_mem>> -> memref<!tpu.dma_semaphore, #tpu.memory_space<semaphore_mem>>
      %dma_start3A_829 = arith.constant 0 : i32
      %dma_start3A_830 = tpu.memref_slice %arg4[%add3A_818, %dma_start3A_829] : memref<819200x64xf32, #tpu.memory_space<hbm>> -> memref<128x64xf32, #tpu.memory_space<hbm>>
      %dma_start3A_831 = arith.constant 0 : i32
      %dma_start3A_832 = arith.constant 0 : i32
      %dma_start3A_833 = tpu.memref_slice %arg6[%dma_start3A_819, %dma_start3A_831, %dma_start3A_832] : memref<8x128x64xf32, #tpu.memory_space<vmem>> -> memref<1x128x64xf32, #tpu.memory_space<vmem>>
      %dma_start3A_834 = tpu.memref_squeeze %dma_start3A_833 : memref<1x128x64xf32, #tpu.memory_space<vmem>> -> memref<128x64xf32, #tpu.memory_space<vmem>>
      tpu.enqueue_dma source(%dma_start3A_834 : memref<128x64xf32, #tpu.memory_space<vmem>>) target(%dma_start3A_830 : memref<128x64xf32, #tpu.memory_space<hbm>>) target_semaphore(%dma_start3A_828 : memref<!tpu.dma_semaphore, #tpu.memory_space<semaphore_mem>>)
      %add3A_835 = arith.constant 5 : i32
      %add3A_836 = arith.addi %add3A_504, %add3A_835 : i32
      %dma_wait3A_837 = arith.constant 5 : i32
      %dma_wait3A_838 = arith.constant 5 : i32
      %dma_wait3A_839 = arith.constant 0 : i32
      %dma_wait3A_840 = arith.constant 0 : i32
      %dma_wait3A_841 = tpu.memref_slice %arg6[%dma_wait3A_837, %dma_wait3A_839, %dma_wait3A_840] : memref<8x128x64xf32, #tpu.memory_space<vmem>> -> memref<1x128x64xf32, #tpu.memory_space<vmem>>
      %dma_wait3A_842 = tpu.memref_squeeze %dma_wait3A_841 : memref<1x128x64xf32, #tpu.memory_space<vmem>> -> memref<128x64xf32, #tpu.memory_space<vmem>>
      %dma_wait3A_843 = arith.constant 0 : i32
      %dma_wait3A_844 = tpu.memref_slice %arg4[%mul3A_2, %dma_wait3A_843] : memref<819200x64xf32, #tpu.memory_space<hbm>> -> memref<128x64xf32, #tpu.memory_space<hbm>>
      %dma_wait3A_845 = tpu.memref_slice %arg8[%dma_wait3A_838] : memref<8x!tpu.dma_semaphore, #tpu.memory_space<semaphore_mem>> -> memref<1x!tpu.dma_semaphore, #tpu.memory_space<semaphore_mem>>
      %dma_wait3A_846 = tpu.memref_squeeze %dma_wait3A_845 : memref<1x!tpu.dma_semaphore, #tpu.memory_space<semaphore_mem>> -> memref<!tpu.dma_semaphore, #tpu.memory_space<semaphore_mem>>
      %dma_wait3A_847 = arith.constant 0 : i32
      %dma_wait3A_848 = tpu.memref_slice %arg4[%mul3A_2, %dma_wait3A_847] : memref<819200x64xf32, #tpu.memory_space<hbm>> -> memref<128x64xf32, #tpu.memory_space<hbm>>
      %dma_wait3A_849 = arith.constant 0 : i32
      %dma_wait3A_850 = arith.constant 0 : i32
      %dma_wait3A_851 = tpu.memref_slice %arg6[%dma_wait3A_837, %dma_wait3A_849, %dma_wait3A_850] : memref<8x128x64xf32, #tpu.memory_space<vmem>> -> memref<1x128x64xf32, #tpu.memory_space<vmem>>
      %dma_wait3A_852 = tpu.memref_squeeze %dma_wait3A_851 : memref<1x128x64xf32, #tpu.memory_space<vmem>> -> memref<128x64xf32, #tpu.memory_space<vmem>>
      tpu.wait_dma2 semaphore(%dma_wait3A_846 : memref<!tpu.dma_semaphore, #tpu.memory_space<semaphore_mem>>) src(%dma_wait3A_852 : memref<128x64xf32, #tpu.memory_space<vmem>>) dst(%dma_wait3A_848 : memref<128x64xf32, #tpu.memory_space<hbm>>)
      %add3A_853 = arith.constant 4 : i32
      %add3A_854 = arith.addi %add3A_836, %add3A_853 : i32
      %mul3A_855 = arith.constant 128 : i32
      %mul3A_856 = arith.muli %add3A_854, %mul3A_855 : i32
      %dma_start3A_857 = arith.constant 5 : i32
      %dma_start3A_858 = arith.constant 5 : i32
      %dma_start3A_859 = arith.constant 0 : i32
      %dma_start3A_860 = arith.constant 0 : i32
      %dma_start3A_861 = tpu.memref_slice %arg6[%dma_start3A_857, %dma_start3A_859, %dma_start3A_860] : memref<8x128x64xf32, #tpu.memory_space<vmem>> -> memref<1x128x64xf32, #tpu.memory_space<vmem>>
      %dma_start3A_862 = tpu.memref_squeeze %dma_start3A_861 : memref<1x128x64xf32, #tpu.memory_space<vmem>> -> memref<128x64xf32, #tpu.memory_space<vmem>>
      %dma_start3A_863 = tpu.memref_slice %arg5[%mul3A_856] : memref<25600xi32, #tpu.memory_space<vmem>> -> memref<128xi32, #tpu.memory_space<vmem>>
      %dma_start3A_864 = arith.constant 0 : i32
      %dma_start3A_865 = arith.constant 0 : i32
      %dma_start3A_866 = tpu.memref_slice %arg3[%dma_start3A_864, %dma_start3A_865] : memref<1000000x64xf32, #tpu.memory_space<hbm>> -> memref<1000000x64xf32, #tpu.memory_space<hbm>>
      %dma_start3A_867 = tpu.memref_slice %arg7[%dma_start3A_858] : memref<8x!tpu.dma_semaphore, #tpu.memory_space<semaphore_mem>> -> memref<1x!tpu.dma_semaphore, #tpu.memory_space<semaphore_mem>>
      %dma_start3A_868 = tpu.memref_squeeze %dma_start3A_867 : memref<1x!tpu.dma_semaphore, #tpu.memory_space<semaphore_mem>> -> memref<!tpu.dma_semaphore, #tpu.memory_space<semaphore_mem>>
      tpu.enqueue_indirect_dma source(%dma_start3A_866 : memref<1000000x64xf32, #tpu.memory_space<hbm>>) target(%dma_start3A_862 : memref<128x64xf32, #tpu.memory_space<vmem>>) offsets(%dma_start3A_863 : memref<128xi32, #tpu.memory_space<vmem>>) semaphore(%dma_start3A_868 : memref<!tpu.dma_semaphore, #tpu.memory_space<semaphore_mem>>)
      %dma_wait3A_869 = arith.constant 1 : i32
      %dma_wait3A_870 = arith.constant 1 : i32
      %dma_wait3A_871 = arith.constant 0 : i32
      %dma_wait3A_872 = arith.constant 0 : i32
      %dma_wait3A_873 = tpu.memref_slice %arg6[%dma_wait3A_869, %dma_wait3A_871, %dma_wait3A_872] : memref<8x128x64xf32, #tpu.memory_space<vmem>> -> memref<1x128x64xf32, #tpu.memory_space<vmem>>
      %dma_wait3A_874 = tpu.memref_squeeze %dma_wait3A_873 : memref<1x128x64xf32, #tpu.memory_space<vmem>> -> memref<128x64xf32, #tpu.memory_space<vmem>>
      %dma_wait3A_875 = arith.constant 0 : i32
      %dma_wait3A_876 = tpu.memref_slice %arg5[%dma_wait3A_875] : memref<25600xi32, #tpu.memory_space<vmem>> -> memref<128xi32, #tpu.memory_space<vmem>>
      %dma_wait3A_877 = arith.constant 0 : i32
      %dma_wait3A_878 = arith.constant 0 : i32
      %dma_wait3A_879 = tpu.memref_slice %arg3[%dma_wait3A_877, %dma_wait3A_878] : memref<1000000x64xf32, #tpu.memory_space<hbm>> -> memref<1000000x64xf32, #tpu.memory_space<hbm>>
      %dma_wait3A_880 = tpu.memref_slice %arg7[%dma_wait3A_870] : memref<8x!tpu.dma_semaphore, #tpu.memory_space<semaphore_mem>> -> memref<1x!tpu.dma_semaphore, #tpu.memory_space<semaphore_mem>>
      %dma_wait3A_881 = tpu.memref_squeeze %dma_wait3A_880 : memref<1x!tpu.dma_semaphore, #tpu.memory_space<semaphore_mem>> -> memref<!tpu.dma_semaphore, #tpu.memory_space<semaphore_mem>>
      tpu.wait_indirect_dma semaphore(%dma_wait3A_881 : memref<!tpu.dma_semaphore, #tpu.memory_space<semaphore_mem>>) src(%dma_wait3A_879 : memref<1000000x64xf32, #tpu.memory_space<hbm>>) dst(%dma_wait3A_874 : memref<128x64xf32, #tpu.memory_space<vmem>>)
      %mul3A_882 = arith.constant 128 : i32
      %mul3A_883 = arith.muli %add3A_836, %mul3A_882 : i32
      %add3A_884 = arith.addi %mul3A_2, %mul3A_883 : i32
      %dma_start3A_885 = arith.constant 1 : i32
      %dma_start3A_886 = arith.constant 1 : i32
      %dma_start3A_887 = arith.constant 0 : i32
      %dma_start3A_888 = arith.constant 0 : i32
      %dma_start3A_889 = tpu.memref_slice %arg6[%dma_start3A_885, %dma_start3A_887, %dma_start3A_888] : memref<8x128x64xf32, #tpu.memory_space<vmem>> -> memref<1x128x64xf32, #tpu.memory_space<vmem>>
      %dma_start3A_890 = tpu.memref_squeeze %dma_start3A_889 : memref<1x128x64xf32, #tpu.memory_space<vmem>> -> memref<128x64xf32, #tpu.memory_space<vmem>>
      %dma_start3A_891 = arith.constant 0 : i32
      %dma_start3A_892 = tpu.memref_slice %arg4[%add3A_884, %dma_start3A_891] : memref<819200x64xf32, #tpu.memory_space<hbm>> -> memref<128x64xf32, #tpu.memory_space<hbm>>
      %dma_start3A_893 = tpu.memref_slice %arg8[%dma_start3A_886] : memref<8x!tpu.dma_semaphore, #tpu.memory_space<semaphore_mem>> -> memref<1x!tpu.dma_semaphore, #tpu.memory_space<semaphore_mem>>
      %dma_start3A_894 = tpu.memref_squeeze %dma_start3A_893 : memref<1x!tpu.dma_semaphore, #tpu.memory_space<semaphore_mem>> -> memref<!tpu.dma_semaphore, #tpu.memory_space<semaphore_mem>>
      %dma_start3A_895 = arith.constant 0 : i32
      %dma_start3A_896 = tpu.memref_slice %arg4[%add3A_884, %dma_start3A_895] : memref<819200x64xf32, #tpu.memory_space<hbm>> -> memref<128x64xf32, #tpu.memory_space<hbm>>
      %dma_start3A_897 = arith.constant 0 : i32
      %dma_start3A_898 = arith.constant 0 : i32
      %dma_start3A_899 = tpu.memref_slice %arg6[%dma_start3A_885, %dma_start3A_897, %dma_start3A_898] : memref<8x128x64xf32, #tpu.memory_space<vmem>> -> memref<1x128x64xf32, #tpu.memory_space<vmem>>
      %dma_start3A_900 = tpu.memref_squeeze %dma_start3A_899 : memref<1x128x64xf32, #tpu.memory_space<vmem>> -> memref<128x64xf32, #tpu.memory_space<vmem>>
      tpu.enqueue_dma source(%dma_start3A_900 : memref<128x64xf32, #tpu.memory_space<vmem>>) target(%dma_start3A_896 : memref<128x64xf32, #tpu.memory_space<hbm>>) target_semaphore(%dma_start3A_894 : memref<!tpu.dma_semaphore, #tpu.memory_space<semaphore_mem>>)
      %add3A_901 = arith.constant 6 : i32
      %add3A_902 = arith.addi %add3A_504, %add3A_901 : i32
      %dma_wait3A_903 = arith.constant 6 : i32
      %dma_wait3A_904 = arith.constant 6 : i32
      %dma_wait3A_905 = arith.constant 0 : i32
      %dma_wait3A_906 = arith.constant 0 : i32
      %dma_wait3A_907 = tpu.memref_slice %arg6[%dma_wait3A_903, %dma_wait3A_905, %dma_wait3A_906] : memref<8x128x64xf32, #tpu.memory_space<vmem>> -> memref<1x128x64xf32, #tpu.memory_space<vmem>>
      %dma_wait3A_908 = tpu.memref_squeeze %dma_wait3A_907 : memref<1x128x64xf32, #tpu.memory_space<vmem>> -> memref<128x64xf32, #tpu.memory_space<vmem>>
      %dma_wait3A_909 = arith.constant 0 : i32
      %dma_wait3A_910 = tpu.memref_slice %arg4[%mul3A_2, %dma_wait3A_909] : memref<819200x64xf32, #tpu.memory_space<hbm>> -> memref<128x64xf32, #tpu.memory_space<hbm>>
      %dma_wait3A_911 = tpu.memref_slice %arg8[%dma_wait3A_904] : memref<8x!tpu.dma_semaphore, #tpu.memory_space<semaphore_mem>> -> memref<1x!tpu.dma_semaphore, #tpu.memory_space<semaphore_mem>>
      %dma_wait3A_912 = tpu.memref_squeeze %dma_wait3A_911 : memref<1x!tpu.dma_semaphore, #tpu.memory_space<semaphore_mem>> -> memref<!tpu.dma_semaphore, #tpu.memory_space<semaphore_mem>>
      %dma_wait3A_913 = arith.constant 0 : i32
      %dma_wait3A_914 = tpu.memref_slice %arg4[%mul3A_2, %dma_wait3A_913] : memref<819200x64xf32, #tpu.memory_space<hbm>> -> memref<128x64xf32, #tpu.memory_space<hbm>>
      %dma_wait3A_915 = arith.constant 0 : i32
      %dma_wait3A_916 = arith.constant 0 : i32
      %dma_wait3A_917 = tpu.memref_slice %arg6[%dma_wait3A_903, %dma_wait3A_915, %dma_wait3A_916] : memref<8x128x64xf32, #tpu.memory_space<vmem>> -> memref<1x128x64xf32, #tpu.memory_space<vmem>>
      %dma_wait3A_918 = tpu.memref_squeeze %dma_wait3A_917 : memref<1x128x64xf32, #tpu.memory_space<vmem>> -> memref<128x64xf32, #tpu.memory_space<vmem>>
      tpu.wait_dma2 semaphore(%dma_wait3A_912 : memref<!tpu.dma_semaphore, #tpu.memory_space<semaphore_mem>>) src(%dma_wait3A_918 : memref<128x64xf32, #tpu.memory_space<vmem>>) dst(%dma_wait3A_914 : memref<128x64xf32, #tpu.memory_space<hbm>>)
      %add3A_919 = arith.constant 4 : i32
      %add3A_920 = arith.addi %add3A_902, %add3A_919 : i32
      %mul3A_921 = arith.constant 128 : i32
      %mul3A_922 = arith.muli %add3A_920, %mul3A_921 : i32
      %dma_start3A_923 = arith.constant 6 : i32
      %dma_start3A_924 = arith.constant 6 : i32
      %dma_start3A_925 = arith.constant 0 : i32
      %dma_start3A_926 = arith.constant 0 : i32
      %dma_start3A_927 = tpu.memref_slice %arg6[%dma_start3A_923, %dma_start3A_925, %dma_start3A_926] : memref<8x128x64xf32, #tpu.memory_space<vmem>> -> memref<1x128x64xf32, #tpu.memory_space<vmem>>
      %dma_start3A_928 = tpu.memref_squeeze %dma_start3A_927 : memref<1x128x64xf32, #tpu.memory_space<vmem>> -> memref<128x64xf32, #tpu.memory_space<vmem>>
      %dma_start3A_929 = tpu.memref_slice %arg5[%mul3A_922] : memref<25600xi32, #tpu.memory_space<vmem>> -> memref<128xi32, #tpu.memory_space<vmem>>
      %dma_start3A_930 = arith.constant 0 : i32
      %dma_start3A_931 = arith.constant 0 : i32
      %dma_start3A_932 = tpu.memref_slice %arg3[%dma_start3A_930, %dma_start3A_931] : memref<1000000x64xf32, #tpu.memory_space<hbm>> -> memref<1000000x64xf32, #tpu.memory_space<hbm>>
      %dma_start3A_933 = tpu.memref_slice %arg7[%dma_start3A_924] : memref<8x!tpu.dma_semaphore, #tpu.memory_space<semaphore_mem>> -> memref<1x!tpu.dma_semaphore, #tpu.memory_space<semaphore_mem>>
      %dma_start3A_934 = tpu.memref_squeeze %dma_start3A_933 : memref<1x!tpu.dma_semaphore, #tpu.memory_space<semaphore_mem>> -> memref<!tpu.dma_semaphore, #tpu.memory_space<semaphore_mem>>
      tpu.enqueue_indirect_dma source(%dma_start3A_932 : memref<1000000x64xf32, #tpu.memory_space<hbm>>) target(%dma_start3A_928 : memref<128x64xf32, #tpu.memory_space<vmem>>) offsets(%dma_start3A_929 : memref<128xi32, #tpu.memory_space<vmem>>) semaphore(%dma_start3A_934 : memref<!tpu.dma_semaphore, #tpu.memory_space<semaphore_mem>>)
      %dma_wait3A_935 = arith.constant 2 : i32
      %dma_wait3A_936 = arith.constant 2 : i32
      %dma_wait3A_937 = arith.constant 0 : i32
      %dma_wait3A_938 = arith.constant 0 : i32
      %dma_wait3A_939 = tpu.memref_slice %arg6[%dma_wait3A_935, %dma_wait3A_937, %dma_wait3A_938] : memref<8x128x64xf32, #tpu.memory_space<vmem>> -> memref<1x128x64xf32, #tpu.memory_space<vmem>>
      %dma_wait3A_940 = tpu.memref_squeeze %dma_wait3A_939 : memref<1x128x64xf32, #tpu.memory_space<vmem>> -> memref<128x64xf32, #tpu.memory_space<vmem>>
      %dma_wait3A_941 = arith.constant 0 : i32
      %dma_wait3A_942 = tpu.memref_slice %arg5[%dma_wait3A_941] : memref<25600xi32, #tpu.memory_space<vmem>> -> memref<128xi32, #tpu.memory_space<vmem>>
      %dma_wait3A_943 = arith.constant 0 : i32
      %dma_wait3A_944 = arith.constant 0 : i32
      %dma_wait3A_945 = tpu.memref_slice %arg3[%dma_wait3A_943, %dma_wait3A_944] : memref<1000000x64xf32, #tpu.memory_space<hbm>> -> memref<1000000x64xf32, #tpu.memory_space<hbm>>
      %dma_wait3A_946 = tpu.memref_slice %arg7[%dma_wait3A_936] : memref<8x!tpu.dma_semaphore, #tpu.memory_space<semaphore_mem>> -> memref<1x!tpu.dma_semaphore, #tpu.memory_space<semaphore_mem>>
      %dma_wait3A_947 = tpu.memref_squeeze %dma_wait3A_946 : memref<1x!tpu.dma_semaphore, #tpu.memory_space<semaphore_mem>> -> memref<!tpu.dma_semaphore, #tpu.memory_space<semaphore_mem>>
      tpu.wait_indirect_dma semaphore(%dma_wait3A_947 : memref<!tpu.dma_semaphore, #tpu.memory_space<semaphore_mem>>) src(%dma_wait3A_945 : memref<1000000x64xf32, #tpu.memory_space<hbm>>) dst(%dma_wait3A_940 : memref<128x64xf32, #tpu.memory_space<vmem>>)
      %mul3A_948 = arith.constant 128 : i32
      %mul3A_949 = arith.muli %add3A_902, %mul3A_948 : i32
      %add3A_950 = arith.addi %mul3A_2, %mul3A_949 : i32
      %dma_start3A_951 = arith.constant 2 : i32
      %dma_start3A_952 = arith.constant 2 : i32
      %dma_start3A_953 = arith.constant 0 : i32
      %dma_start3A_954 = arith.constant 0 : i32
      %dma_start3A_955 = tpu.memref_slice %arg6[%dma_start3A_951, %dma_start3A_953, %dma_start3A_954] : memref<8x128x64xf32, #tpu.memory_space<vmem>> -> memref<1x128x64xf32, #tpu.memory_space<vmem>>
      %dma_start3A_956 = tpu.memref_squeeze %dma_start3A_955 : memref<1x128x64xf32, #tpu.memory_space<vmem>> -> memref<128x64xf32, #tpu.memory_space<vmem>>
      %dma_start3A_957 = arith.constant 0 : i32
      %dma_start3A_958 = tpu.memref_slice %arg4[%add3A_950, %dma_start3A_957] : memref<819200x64xf32, #tpu.memory_space<hbm>> -> memref<128x64xf32, #tpu.memory_space<hbm>>
      %dma_start3A_959 = tpu.memref_slice %arg8[%dma_start3A_952] : memref<8x!tpu.dma_semaphore, #tpu.memory_space<semaphore_mem>> -> memref<1x!tpu.dma_semaphore, #tpu.memory_space<semaphore_mem>>
      %dma_start3A_960 = tpu.memref_squeeze %dma_start3A_959 : memref<1x!tpu.dma_semaphore, #tpu.memory_space<semaphore_mem>> -> memref<!tpu.dma_semaphore, #tpu.memory_space<semaphore_mem>>
      %dma_start3A_961 = arith.constant 0 : i32
      %dma_start3A_962 = tpu.memref_slice %arg4[%add3A_950, %dma_start3A_961] : memref<819200x64xf32, #tpu.memory_space<hbm>> -> memref<128x64xf32, #tpu.memory_space<hbm>>
      %dma_start3A_963 = arith.constant 0 : i32
      %dma_start3A_964 = arith.constant 0 : i32
      %dma_start3A_965 = tpu.memref_slice %arg6[%dma_start3A_951, %dma_start3A_963, %dma_start3A_964] : memref<8x128x64xf32, #tpu.memory_space<vmem>> -> memref<1x128x64xf32, #tpu.memory_space<vmem>>
      %dma_start3A_966 = tpu.memref_squeeze %dma_start3A_965 : memref<1x128x64xf32, #tpu.memory_space<vmem>> -> memref<128x64xf32, #tpu.memory_space<vmem>>
      tpu.enqueue_dma source(%dma_start3A_966 : memref<128x64xf32, #tpu.memory_space<vmem>>) target(%dma_start3A_962 : memref<128x64xf32, #tpu.memory_space<hbm>>) target_semaphore(%dma_start3A_960 : memref<!tpu.dma_semaphore, #tpu.memory_space<semaphore_mem>>)
      %add3A_967 = arith.constant 7 : i32
      %add3A_968 = arith.addi %add3A_504, %add3A_967 : i32
      %dma_wait3A_969 = arith.constant 7 : i32
      %dma_wait3A_970 = arith.constant 7 : i32
      %dma_wait3A_971 = arith.constant 0 : i32
      %dma_wait3A_972 = arith.constant 0 : i32
      %dma_wait3A_973 = tpu.memref_slice %arg6[%dma_wait3A_969, %dma_wait3A_971, %dma_wait3A_972] : memref<8x128x64xf32, #tpu.memory_space<vmem>> -> memref<1x128x64xf32, #tpu.memory_space<vmem>>
      %dma_wait3A_974 = tpu.memref_squeeze %dma_wait3A_973 : memref<1x128x64xf32, #tpu.memory_space<vmem>> -> memref<128x64xf32, #tpu.memory_space<vmem>>
      %dma_wait3A_975 = arith.constant 0 : i32
      %dma_wait3A_976 = tpu.memref_slice %arg4[%mul3A_2, %dma_wait3A_975] : memref<819200x64xf32, #tpu.memory_space<hbm>> -> memref<128x64xf32, #tpu.memory_space<hbm>>
      %dma_wait3A_977 = tpu.memref_slice %arg8[%dma_wait3A_970] : memref<8x!tpu.dma_semaphore, #tpu.memory_space<semaphore_mem>> -> memref<1x!tpu.dma_semaphore, #tpu.memory_space<semaphore_mem>>
      %dma_wait3A_978 = tpu.memref_squeeze %dma_wait3A_977 : memref<1x!tpu.dma_semaphore, #tpu.memory_space<semaphore_mem>> -> memref<!tpu.dma_semaphore, #tpu.memory_space<semaphore_mem>>
      %dma_wait3A_979 = arith.constant 0 : i32
      %dma_wait3A_980 = tpu.memref_slice %arg4[%mul3A_2, %dma_wait3A_979] : memref<819200x64xf32, #tpu.memory_space<hbm>> -> memref<128x64xf32, #tpu.memory_space<hbm>>
      %dma_wait3A_981 = arith.constant 0 : i32
      %dma_wait3A_982 = arith.constant 0 : i32
      %dma_wait3A_983 = tpu.memref_slice %arg6[%dma_wait3A_969, %dma_wait3A_981, %dma_wait3A_982] : memref<8x128x64xf32, #tpu.memory_space<vmem>> -> memref<1x128x64xf32, #tpu.memory_space<vmem>>
      %dma_wait3A_984 = tpu.memref_squeeze %dma_wait3A_983 : memref<1x128x64xf32, #tpu.memory_space<vmem>> -> memref<128x64xf32, #tpu.memory_space<vmem>>
      tpu.wait_dma2 semaphore(%dma_wait3A_978 : memref<!tpu.dma_semaphore, #tpu.memory_space<semaphore_mem>>) src(%dma_wait3A_984 : memref<128x64xf32, #tpu.memory_space<vmem>>) dst(%dma_wait3A_980 : memref<128x64xf32, #tpu.memory_space<hbm>>)
      %add3A_985 = arith.constant 4 : i32
      %add3A_986 = arith.addi %add3A_968, %add3A_985 : i32
      %mul3A_987 = arith.constant 128 : i32
      %mul3A_988 = arith.muli %add3A_986, %mul3A_987 : i32
      %dma_start3A_989 = arith.constant 7 : i32
      %dma_start3A_990 = arith.constant 7 : i32
      %dma_start3A_991 = arith.constant 0 : i32
      %dma_start3A_992 = arith.constant 0 : i32
      %dma_start3A_993 = tpu.memref_slice %arg6[%dma_start3A_989, %dma_start3A_991, %dma_start3A_992] : memref<8x128x64xf32, #tpu.memory_space<vmem>> -> memref<1x128x64xf32, #tpu.memory_space<vmem>>
      %dma_start3A_994 = tpu.memref_squeeze %dma_start3A_993 : memref<1x128x64xf32, #tpu.memory_space<vmem>> -> memref<128x64xf32, #tpu.memory_space<vmem>>
      %dma_start3A_995 = tpu.memref_slice %arg5[%mul3A_988] : memref<25600xi32, #tpu.memory_space<vmem>> -> memref<128xi32, #tpu.memory_space<vmem>>
      %dma_start3A_996 = arith.constant 0 : i32
      %dma_start3A_997 = arith.constant 0 : i32
      %dma_start3A_998 = tpu.memref_slice %arg3[%dma_start3A_996, %dma_start3A_997] : memref<1000000x64xf32, #tpu.memory_space<hbm>> -> memref<1000000x64xf32, #tpu.memory_space<hbm>>
      %dma_start3A_999 = tpu.memref_slice %arg7[%dma_start3A_990] : memref<8x!tpu.dma_semaphore, #tpu.memory_space<semaphore_mem>> -> memref<1x!tpu.dma_semaphore, #tpu.memory_space<semaphore_mem>>
      %dma_start3A_1000 = tpu.memref_squeeze %dma_start3A_999 : memref<1x!tpu.dma_semaphore, #tpu.memory_space<semaphore_mem>> -> memref<!tpu.dma_semaphore, #tpu.memory_space<semaphore_mem>>
      tpu.enqueue_indirect_dma source(%dma_start3A_998 : memref<1000000x64xf32, #tpu.memory_space<hbm>>) target(%dma_start3A_994 : memref<128x64xf32, #tpu.memory_space<vmem>>) offsets(%dma_start3A_995 : memref<128xi32, #tpu.memory_space<vmem>>) semaphore(%dma_start3A_1000 : memref<!tpu.dma_semaphore, #tpu.memory_space<semaphore_mem>>)
      %dma_wait3A_1001 = arith.constant 3 : i32
      %dma_wait3A_1002 = arith.constant 3 : i32
      %dma_wait3A_1003 = arith.constant 0 : i32
      %dma_wait3A_1004 = arith.constant 0 : i32
      %dma_wait3A_1005 = tpu.memref_slice %arg6[%dma_wait3A_1001, %dma_wait3A_1003, %dma_wait3A_1004] : memref<8x128x64xf32, #tpu.memory_space<vmem>> -> memref<1x128x64xf32, #tpu.memory_space<vmem>>
      %dma_wait3A_1006 = tpu.memref_squeeze %dma_wait3A_1005 : memref<1x128x64xf32, #tpu.memory_space<vmem>> -> memref<128x64xf32, #tpu.memory_space<vmem>>
      %dma_wait3A_1007 = arith.constant 0 : i32
      %dma_wait3A_1008 = tpu.memref_slice %arg5[%dma_wait3A_1007] : memref<25600xi32, #tpu.memory_space<vmem>> -> memref<128xi32, #tpu.memory_space<vmem>>
      %dma_wait3A_1009 = arith.constant 0 : i32
      %dma_wait3A_1010 = arith.constant 0 : i32
      %dma_wait3A_1011 = tpu.memref_slice %arg3[%dma_wait3A_1009, %dma_wait3A_1010] : memref<1000000x64xf32, #tpu.memory_space<hbm>> -> memref<1000000x64xf32, #tpu.memory_space<hbm>>
      %dma_wait3A_1012 = tpu.memref_slice %arg7[%dma_wait3A_1002] : memref<8x!tpu.dma_semaphore, #tpu.memory_space<semaphore_mem>> -> memref<1x!tpu.dma_semaphore, #tpu.memory_space<semaphore_mem>>
      %dma_wait3A_1013 = tpu.memref_squeeze %dma_wait3A_1012 : memref<1x!tpu.dma_semaphore, #tpu.memory_space<semaphore_mem>> -> memref<!tpu.dma_semaphore, #tpu.memory_space<semaphore_mem>>
      tpu.wait_indirect_dma semaphore(%dma_wait3A_1013 : memref<!tpu.dma_semaphore, #tpu.memory_space<semaphore_mem>>) src(%dma_wait3A_1011 : memref<1000000x64xf32, #tpu.memory_space<hbm>>) dst(%dma_wait3A_1006 : memref<128x64xf32, #tpu.memory_space<vmem>>)
      %mul3A_1014 = arith.constant 128 : i32
      %mul3A_1015 = arith.muli %add3A_968, %mul3A_1014 : i32
      %add3A_1016 = arith.addi %mul3A_2, %mul3A_1015 : i32
      %dma_start3A_1017 = arith.constant 3 : i32
      %dma_start3A_1018 = arith.constant 3 : i32
      %dma_start3A_1019 = arith.constant 0 : i32
      %dma_start3A_1020 = arith.constant 0 : i32
      %dma_start3A_1021 = tpu.memref_slice %arg6[%dma_start3A_1017, %dma_start3A_1019, %dma_start3A_1020] : memref<8x128x64xf32, #tpu.memory_space<vmem>> -> memref<1x128x64xf32, #tpu.memory_space<vmem>>
      %dma_start3A_1022 = tpu.memref_squeeze %dma_start3A_1021 : memref<1x128x64xf32, #tpu.memory_space<vmem>> -> memref<128x64xf32, #tpu.memory_space<vmem>>
      %dma_start3A_1023 = arith.constant 0 : i32
      %dma_start3A_1024 = tpu.memref_slice %arg4[%add3A_1016, %dma_start3A_1023] : memref<819200x64xf32, #tpu.memory_space<hbm>> -> memref<128x64xf32, #tpu.memory_space<hbm>>
      %dma_start3A_1025 = tpu.memref_slice %arg8[%dma_start3A_1018] : memref<8x!tpu.dma_semaphore, #tpu.memory_space<semaphore_mem>> -> memref<1x!tpu.dma_semaphore, #tpu.memory_space<semaphore_mem>>
      %dma_start3A_1026 = tpu.memref_squeeze %dma_start3A_1025 : memref<1x!tpu.dma_semaphore, #tpu.memory_space<semaphore_mem>> -> memref<!tpu.dma_semaphore, #tpu.memory_space<semaphore_mem>>
      %dma_start3A_1027 = arith.constant 0 : i32
      %dma_start3A_1028 = tpu.memref_slice %arg4[%add3A_1016, %dma_start3A_1027] : memref<819200x64xf32, #tpu.memory_space<hbm>> -> memref<128x64xf32, #tpu.memory_space<hbm>>
      %dma_start3A_1029 = arith.constant 0 : i32
      %dma_start3A_1030 = arith.constant 0 : i32
      %dma_start3A_1031 = tpu.memref_slice %arg6[%dma_start3A_1017, %dma_start3A_1029, %dma_start3A_1030] : memref<8x128x64xf32, #tpu.memory_space<vmem>> -> memref<1x128x64xf32, #tpu.memory_space<vmem>>
      %dma_start3A_1032 = tpu.memref_squeeze %dma_start3A_1031 : memref<1x128x64xf32, #tpu.memory_space<vmem>> -> memref<128x64xf32, #tpu.memory_space<vmem>>
      tpu.enqueue_dma source(%dma_start3A_1032 : memref<128x64xf32, #tpu.memory_space<vmem>>) target(%dma_start3A_1028 : memref<128x64xf32, #tpu.memory_space<hbm>>) target_semaphore(%dma_start3A_1026 : memref<!tpu.dma_semaphore, #tpu.memory_space<semaphore_mem>>)
    }
    %scan3A_247 = arith.constant 24 : i32
    %dma_wait3A_248 = arith.constant 4 : i32
    %dma_wait3A_249 = arith.constant 4 : i32
    %dma_wait3A_250 = arith.constant 0 : i32
    %dma_wait3A_251 = arith.constant 0 : i32
    %dma_wait3A_252 = tpu.memref_slice %arg6[%dma_wait3A_248, %dma_wait3A_250, %dma_wait3A_251] : memref<8x128x64xf32, #tpu.memory_space<vmem>> -> memref<1x128x64xf32, #tpu.memory_space<vmem>>
    %dma_wait3A_253 = tpu.memref_squeeze %dma_wait3A_252 : memref<1x128x64xf32, #tpu.memory_space<vmem>> -> memref<128x64xf32, #tpu.memory_space<vmem>>
    %dma_wait3A_254 = arith.constant 0 : i32
    %dma_wait3A_255 = tpu.memref_slice %arg5[%dma_wait3A_254] : memref<25600xi32, #tpu.memory_space<vmem>> -> memref<128xi32, #tpu.memory_space<vmem>>
    %dma_wait3A_256 = arith.constant 0 : i32
    %dma_wait3A_257 = arith.constant 0 : i32
    %dma_wait3A_258 = tpu.memref_slice %arg3[%dma_wait3A_256, %dma_wait3A_257] : memref<1000000x64xf32, #tpu.memory_space<hbm>> -> memref<1000000x64xf32, #tpu.memory_space<hbm>>
    %dma_wait3A_259 = tpu.memref_slice %arg7[%dma_wait3A_249] : memref<8x!tpu.dma_semaphore, #tpu.memory_space<semaphore_mem>> -> memref<1x!tpu.dma_semaphore, #tpu.memory_space<semaphore_mem>>
    %dma_wait3A_260 = tpu.memref_squeeze %dma_wait3A_259 : memref<1x!tpu.dma_semaphore, #tpu.memory_space<semaphore_mem>> -> memref<!tpu.dma_semaphore, #tpu.memory_space<semaphore_mem>>
    tpu.wait_indirect_dma semaphore(%dma_wait3A_260 : memref<!tpu.dma_semaphore, #tpu.memory_space<semaphore_mem>>) src(%dma_wait3A_258 : memref<1000000x64xf32, #tpu.memory_space<hbm>>) dst(%dma_wait3A_253 : memref<128x64xf32, #tpu.memory_space<vmem>>)
    %add3A_261 = arith.constant 25088 : i32
    %add3A_262 = arith.addi %mul3A_2, %add3A_261 : i32
    %dma_start3A_263 = arith.constant 4 : i32
    %dma_start3A_264 = arith.constant 4 : i32
    %dma_start3A_265 = arith.constant 0 : i32
    %dma_start3A_266 = arith.constant 0 : i32
    %dma_start3A_267 = tpu.memref_slice %arg6[%dma_start3A_263, %dma_start3A_265, %dma_start3A_266] : memref<8x128x64xf32, #tpu.memory_space<vmem>> -> memref<1x128x64xf32, #tpu.memory_space<vmem>>
    %dma_start3A_268 = tpu.memref_squeeze %dma_start3A_267 : memref<1x128x64xf32, #tpu.memory_space<vmem>> -> memref<128x64xf32, #tpu.memory_space<vmem>>
    %dma_start3A_269 = arith.constant 0 : i32
    %dma_start3A_270 = tpu.memref_slice %arg4[%add3A_262, %dma_start3A_269] : memref<819200x64xf32, #tpu.memory_space<hbm>> -> memref<128x64xf32, #tpu.memory_space<hbm>>
    %dma_start3A_271 = tpu.memref_slice %arg8[%dma_start3A_264] : memref<8x!tpu.dma_semaphore, #tpu.memory_space<semaphore_mem>> -> memref<1x!tpu.dma_semaphore, #tpu.memory_space<semaphore_mem>>
    %dma_start3A_272 = tpu.memref_squeeze %dma_start3A_271 : memref<1x!tpu.dma_semaphore, #tpu.memory_space<semaphore_mem>> -> memref<!tpu.dma_semaphore, #tpu.memory_space<semaphore_mem>>
    %dma_start3A_273 = arith.constant 0 : i32
    %dma_start3A_274 = tpu.memref_slice %arg4[%add3A_262, %dma_start3A_273] : memref<819200x64xf32, #tpu.memory_space<hbm>> -> memref<128x64xf32, #tpu.memory_space<hbm>>
    %dma_start3A_275 = arith.constant 0 : i32
    %dma_start3A_276 = arith.constant 0 : i32
    %dma_start3A_277 = tpu.memref_slice %arg6[%dma_start3A_263, %dma_start3A_275, %dma_start3A_276] : memref<8x128x64xf32, #tpu.memory_space<vmem>> -> memref<1x128x64xf32, #tpu.memory_space<vmem>>
    %dma_start3A_278 = tpu.memref_squeeze %dma_start3A_277 : memref<1x128x64xf32, #tpu.memory_space<vmem>> -> memref<128x64xf32, #tpu.memory_space<vmem>>
    tpu.enqueue_dma source(%dma_start3A_278 : memref<128x64xf32, #tpu.memory_space<vmem>>) target(%dma_start3A_274 : memref<128x64xf32, #tpu.memory_space<hbm>>) target_semaphore(%dma_start3A_272 : memref<!tpu.dma_semaphore, #tpu.memory_space<semaphore_mem>>)
    %dma_wait3A_279 = arith.constant 5 : i32
    %dma_wait3A_280 = arith.constant 5 : i32
    %dma_wait3A_281 = arith.constant 0 : i32
    %dma_wait3A_282 = arith.constant 0 : i32
    %dma_wait3A_283 = tpu.memref_slice %arg6[%dma_wait3A_279, %dma_wait3A_281, %dma_wait3A_282] : memref<8x128x64xf32, #tpu.memory_space<vmem>> -> memref<1x128x64xf32, #tpu.memory_space<vmem>>
    %dma_wait3A_284 = tpu.memref_squeeze %dma_wait3A_283 : memref<1x128x64xf32, #tpu.memory_space<vmem>> -> memref<128x64xf32, #tpu.memory_space<vmem>>
    %dma_wait3A_285 = arith.constant 0 : i32
    %dma_wait3A_286 = tpu.memref_slice %arg5[%dma_wait3A_285] : memref<25600xi32, #tpu.memory_space<vmem>> -> memref<128xi32, #tpu.memory_space<vmem>>
    %dma_wait3A_287 = arith.constant 0 : i32
    %dma_wait3A_288 = arith.constant 0 : i32
    %dma_wait3A_289 = tpu.memref_slice %arg3[%dma_wait3A_287, %dma_wait3A_288] : memref<1000000x64xf32, #tpu.memory_space<hbm>> -> memref<1000000x64xf32, #tpu.memory_space<hbm>>
    %dma_wait3A_290 = tpu.memref_slice %arg7[%dma_wait3A_280] : memref<8x!tpu.dma_semaphore, #tpu.memory_space<semaphore_mem>> -> memref<1x!tpu.dma_semaphore, #tpu.memory_space<semaphore_mem>>
    %dma_wait3A_291 = tpu.memref_squeeze %dma_wait3A_290 : memref<1x!tpu.dma_semaphore, #tpu.memory_space<semaphore_mem>> -> memref<!tpu.dma_semaphore, #tpu.memory_space<semaphore_mem>>
    tpu.wait_indirect_dma semaphore(%dma_wait3A_291 : memref<!tpu.dma_semaphore, #tpu.memory_space<semaphore_mem>>) src(%dma_wait3A_289 : memref<1000000x64xf32, #tpu.memory_space<hbm>>) dst(%dma_wait3A_284 : memref<128x64xf32, #tpu.memory_space<vmem>>)
    %add3A_292 = arith.constant 25216 : i32
    %add3A_293 = arith.addi %mul3A_2, %add3A_292 : i32
    %dma_start3A_294 = arith.constant 5 : i32
    %dma_start3A_295 = arith.constant 5 : i32
    %dma_start3A_296 = arith.constant 0 : i32
    %dma_start3A_297 = arith.constant 0 : i32
    %dma_start3A_298 = tpu.memref_slice %arg6[%dma_start3A_294, %dma_start3A_296, %dma_start3A_297] : memref<8x128x64xf32, #tpu.memory_space<vmem>> -> memref<1x128x64xf32, #tpu.memory_space<vmem>>
    %dma_start3A_299 = tpu.memref_squeeze %dma_start3A_298 : memref<1x128x64xf32, #tpu.memory_space<vmem>> -> memref<128x64xf32, #tpu.memory_space<vmem>>
    %dma_start3A_300 = arith.constant 0 : i32
    %dma_start3A_301 = tpu.memref_slice %arg4[%add3A_293, %dma_start3A_300] : memref<819200x64xf32, #tpu.memory_space<hbm>> -> memref<128x64xf32, #tpu.memory_space<hbm>>
    %dma_start3A_302 = tpu.memref_slice %arg8[%dma_start3A_295] : memref<8x!tpu.dma_semaphore, #tpu.memory_space<semaphore_mem>> -> memref<1x!tpu.dma_semaphore, #tpu.memory_space<semaphore_mem>>
    %dma_start3A_303 = tpu.memref_squeeze %dma_start3A_302 : memref<1x!tpu.dma_semaphore, #tpu.memory_space<semaphore_mem>> -> memref<!tpu.dma_semaphore, #tpu.memory_space<semaphore_mem>>
    %dma_start3A_304 = arith.constant 0 : i32
    %dma_start3A_305 = tpu.memref_slice %arg4[%add3A_293, %dma_start3A_304] : memref<819200x64xf32, #tpu.memory_space<hbm>> -> memref<128x64xf32, #tpu.memory_space<hbm>>
    %dma_start3A_306 = arith.constant 0 : i32
    %dma_start3A_307 = arith.constant 0 : i32
    %dma_start3A_308 = tpu.memref_slice %arg6[%dma_start3A_294, %dma_start3A_306, %dma_start3A_307] : memref<8x128x64xf32, #tpu.memory_space<vmem>> -> memref<1x128x64xf32, #tpu.memory_space<vmem>>
    %dma_start3A_309 = tpu.memref_squeeze %dma_start3A_308 : memref<1x128x64xf32, #tpu.memory_space<vmem>> -> memref<128x64xf32, #tpu.memory_space<vmem>>
    tpu.enqueue_dma source(%dma_start3A_309 : memref<128x64xf32, #tpu.memory_space<vmem>>) target(%dma_start3A_305 : memref<128x64xf32, #tpu.memory_space<hbm>>) target_semaphore(%dma_start3A_303 : memref<!tpu.dma_semaphore, #tpu.memory_space<semaphore_mem>>)
    %dma_wait3A_310 = arith.constant 6 : i32
    %dma_wait3A_311 = arith.constant 6 : i32
    %dma_wait3A_312 = arith.constant 0 : i32
    %dma_wait3A_313 = arith.constant 0 : i32
    %dma_wait3A_314 = tpu.memref_slice %arg6[%dma_wait3A_310, %dma_wait3A_312, %dma_wait3A_313] : memref<8x128x64xf32, #tpu.memory_space<vmem>> -> memref<1x128x64xf32, #tpu.memory_space<vmem>>
    %dma_wait3A_315 = tpu.memref_squeeze %dma_wait3A_314 : memref<1x128x64xf32, #tpu.memory_space<vmem>> -> memref<128x64xf32, #tpu.memory_space<vmem>>
    %dma_wait3A_316 = arith.constant 0 : i32
    %dma_wait3A_317 = tpu.memref_slice %arg5[%dma_wait3A_316] : memref<25600xi32, #tpu.memory_space<vmem>> -> memref<128xi32, #tpu.memory_space<vmem>>
    %dma_wait3A_318 = arith.constant 0 : i32
    %dma_wait3A_319 = arith.constant 0 : i32
    %dma_wait3A_320 = tpu.memref_slice %arg3[%dma_wait3A_318, %dma_wait3A_319] : memref<1000000x64xf32, #tpu.memory_space<hbm>> -> memref<1000000x64xf32, #tpu.memory_space<hbm>>
    %dma_wait3A_321 = tpu.memref_slice %arg7[%dma_wait3A_311] : memref<8x!tpu.dma_semaphore, #tpu.memory_space<semaphore_mem>> -> memref<1x!tpu.dma_semaphore, #tpu.memory_space<semaphore_mem>>
    %dma_wait3A_322 = tpu.memref_squeeze %dma_wait3A_321 : memref<1x!tpu.dma_semaphore, #tpu.memory_space<semaphore_mem>> -> memref<!tpu.dma_semaphore, #tpu.memory_space<semaphore_mem>>
    tpu.wait_indirect_dma semaphore(%dma_wait3A_322 : memref<!tpu.dma_semaphore, #tpu.memory_space<semaphore_mem>>) src(%dma_wait3A_320 : memref<1000000x64xf32, #tpu.memory_space<hbm>>) dst(%dma_wait3A_315 : memref<128x64xf32, #tpu.memory_space<vmem>>)
    %add3A_323 = arith.constant 25344 : i32
    %add3A_324 = arith.addi %mul3A_2, %add3A_323 : i32
    %dma_start3A_325 = arith.constant 6 : i32
    %dma_start3A_326 = arith.constant 6 : i32
    %dma_start3A_327 = arith.constant 0 : i32
    %dma_start3A_328 = arith.constant 0 : i32
    %dma_start3A_329 = tpu.memref_slice %arg6[%dma_start3A_325, %dma_start3A_327, %dma_start3A_328] : memref<8x128x64xf32, #tpu.memory_space<vmem>> -> memref<1x128x64xf32, #tpu.memory_space<vmem>>
    %dma_start3A_330 = tpu.memref_squeeze %dma_start3A_329 : memref<1x128x64xf32, #tpu.memory_space<vmem>> -> memref<128x64xf32, #tpu.memory_space<vmem>>
    %dma_start3A_331 = arith.constant 0 : i32
    %dma_start3A_332 = tpu.memref_slice %arg4[%add3A_324, %dma_start3A_331] : memref<819200x64xf32, #tpu.memory_space<hbm>> -> memref<128x64xf32, #tpu.memory_space<hbm>>
    %dma_start3A_333 = tpu.memref_slice %arg8[%dma_start3A_326] : memref<8x!tpu.dma_semaphore, #tpu.memory_space<semaphore_mem>> -> memref<1x!tpu.dma_semaphore, #tpu.memory_space<semaphore_mem>>
    %dma_start3A_334 = tpu.memref_squeeze %dma_start3A_333 : memref<1x!tpu.dma_semaphore, #tpu.memory_space<semaphore_mem>> -> memref<!tpu.dma_semaphore, #tpu.memory_space<semaphore_mem>>
    %dma_start3A_335 = arith.constant 0 : i32
    %dma_start3A_336 = tpu.memref_slice %arg4[%add3A_324, %dma_start3A_335] : memref<819200x64xf32, #tpu.memory_space<hbm>> -> memref<128x64xf32, #tpu.memory_space<hbm>>
    %dma_start3A_337 = arith.constant 0 : i32
    %dma_start3A_338 = arith.constant 0 : i32
    %dma_start3A_339 = tpu.memref_slice %arg6[%dma_start3A_325, %dma_start3A_337, %dma_start3A_338] : memref<8x128x64xf32, #tpu.memory_space<vmem>> -> memref<1x128x64xf32, #tpu.memory_space<vmem>>
    %dma_start3A_340 = tpu.memref_squeeze %dma_start3A_339 : memref<1x128x64xf32, #tpu.memory_space<vmem>> -> memref<128x64xf32, #tpu.memory_space<vmem>>
    tpu.enqueue_dma source(%dma_start3A_340 : memref<128x64xf32, #tpu.memory_space<vmem>>) target(%dma_start3A_336 : memref<128x64xf32, #tpu.memory_space<hbm>>) target_semaphore(%dma_start3A_334 : memref<!tpu.dma_semaphore, #tpu.memory_space<semaphore_mem>>)
    %dma_wait3A_341 = arith.constant 7 : i32
    %dma_wait3A_342 = arith.constant 7 : i32
    %dma_wait3A_343 = arith.constant 0 : i32
    %dma_wait3A_344 = arith.constant 0 : i32
    %dma_wait3A_345 = tpu.memref_slice %arg6[%dma_wait3A_341, %dma_wait3A_343, %dma_wait3A_344] : memref<8x128x64xf32, #tpu.memory_space<vmem>> -> memref<1x128x64xf32, #tpu.memory_space<vmem>>
    %dma_wait3A_346 = tpu.memref_squeeze %dma_wait3A_345 : memref<1x128x64xf32, #tpu.memory_space<vmem>> -> memref<128x64xf32, #tpu.memory_space<vmem>>
    %dma_wait3A_347 = arith.constant 0 : i32
    %dma_wait3A_348 = tpu.memref_slice %arg5[%dma_wait3A_347] : memref<25600xi32, #tpu.memory_space<vmem>> -> memref<128xi32, #tpu.memory_space<vmem>>
    %dma_wait3A_349 = arith.constant 0 : i32
    %dma_wait3A_350 = arith.constant 0 : i32
    %dma_wait3A_351 = tpu.memref_slice %arg3[%dma_wait3A_349, %dma_wait3A_350] : memref<1000000x64xf32, #tpu.memory_space<hbm>> -> memref<1000000x64xf32, #tpu.memory_space<hbm>>
    %dma_wait3A_352 = tpu.memref_slice %arg7[%dma_wait3A_342] : memref<8x!tpu.dma_semaphore, #tpu.memory_space<semaphore_mem>> -> memref<1x!tpu.dma_semaphore, #tpu.memory_space<semaphore_mem>>
    %dma_wait3A_353 = tpu.memref_squeeze %dma_wait3A_352 : memref<1x!tpu.dma_semaphore, #tpu.memory_space<semaphore_mem>> -> memref<!tpu.dma_semaphore, #tpu.memory_space<semaphore_mem>>
    tpu.wait_indirect_dma semaphore(%dma_wait3A_353 : memref<!tpu.dma_semaphore, #tpu.memory_space<semaphore_mem>>) src(%dma_wait3A_351 : memref<1000000x64xf32, #tpu.memory_space<hbm>>) dst(%dma_wait3A_346 : memref<128x64xf32, #tpu.memory_space<vmem>>)
    %add3A_354 = arith.constant 25472 : i32
    %add3A_355 = arith.addi %mul3A_2, %add3A_354 : i32
    %dma_start3A_356 = arith.constant 7 : i32
    %dma_start3A_357 = arith.constant 7 : i32
    %dma_start3A_358 = arith.constant 0 : i32
    %dma_start3A_359 = arith.constant 0 : i32
    %dma_start3A_360 = tpu.memref_slice %arg6[%dma_start3A_356, %dma_start3A_358, %dma_start3A_359] : memref<8x128x64xf32, #tpu.memory_space<vmem>> -> memref<1x128x64xf32, #tpu.memory_space<vmem>>
    %dma_start3A_361 = tpu.memref_squeeze %dma_start3A_360 : memref<1x128x64xf32, #tpu.memory_space<vmem>> -> memref<128x64xf32, #tpu.memory_space<vmem>>
    %dma_start3A_362 = arith.constant 0 : i32
    %dma_start3A_363 = tpu.memref_slice %arg4[%add3A_355, %dma_start3A_362] : memref<819200x64xf32, #tpu.memory_space<hbm>> -> memref<128x64xf32, #tpu.memory_space<hbm>>
    %dma_start3A_364 = tpu.memref_slice %arg8[%dma_start3A_357] : memref<8x!tpu.dma_semaphore, #tpu.memory_space<semaphore_mem>> -> memref<1x!tpu.dma_semaphore, #tpu.memory_space<semaphore_mem>>
    %dma_start3A_365 = tpu.memref_squeeze %dma_start3A_364 : memref<1x!tpu.dma_semaphore, #tpu.memory_space<semaphore_mem>> -> memref<!tpu.dma_semaphore, #tpu.memory_space<semaphore_mem>>
    %dma_start3A_366 = arith.constant 0 : i32
    %dma_start3A_367 = tpu.memref_slice %arg4[%add3A_355, %dma_start3A_366] : memref<819200x64xf32, #tpu.memory_space<hbm>> -> memref<128x64xf32, #tpu.memory_space<hbm>>
    %dma_start3A_368 = arith.constant 0 : i32
    %dma_start3A_369 = arith.constant 0 : i32
    %dma_start3A_370 = tpu.memref_slice %arg6[%dma_start3A_356, %dma_start3A_368, %dma_start3A_369] : memref<8x128x64xf32, #tpu.memory_space<vmem>> -> memref<1x128x64xf32, #tpu.memory_space<vmem>>
    %dma_start3A_371 = tpu.memref_squeeze %dma_start3A_370 : memref<1x128x64xf32, #tpu.memory_space<vmem>> -> memref<128x64xf32, #tpu.memory_space<vmem>>
    tpu.enqueue_dma source(%dma_start3A_371 : memref<128x64xf32, #tpu.memory_space<vmem>>) target(%dma_start3A_367 : memref<128x64xf32, #tpu.memory_space<hbm>>) target_semaphore(%dma_start3A_365 : memref<!tpu.dma_semaphore, #tpu.memory_space<semaphore_mem>>)
    %dma_wait3A_372 = arith.constant 0 : i32
    %dma_wait3A_373 = arith.constant 0 : i32
    %dma_wait3A_374 = arith.constant 0 : i32
    %dma_wait3A_375 = arith.constant 0 : i32
    %dma_wait3A_376 = tpu.memref_slice %arg6[%dma_wait3A_372, %dma_wait3A_374, %dma_wait3A_375] : memref<8x128x64xf32, #tpu.memory_space<vmem>> -> memref<1x128x64xf32, #tpu.memory_space<vmem>>
    %dma_wait3A_377 = tpu.memref_squeeze %dma_wait3A_376 : memref<1x128x64xf32, #tpu.memory_space<vmem>> -> memref<128x64xf32, #tpu.memory_space<vmem>>
    %dma_wait3A_378 = arith.constant 0 : i32
    %dma_wait3A_379 = tpu.memref_slice %arg4[%mul3A_2, %dma_wait3A_378] : memref<819200x64xf32, #tpu.memory_space<hbm>> -> memref<128x64xf32, #tpu.memory_space<hbm>>
    %dma_wait3A_380 = tpu.memref_slice %arg8[%dma_wait3A_373] : memref<8x!tpu.dma_semaphore, #tpu.memory_space<semaphore_mem>> -> memref<1x!tpu.dma_semaphore, #tpu.memory_space<semaphore_mem>>
    %dma_wait3A_381 = tpu.memref_squeeze %dma_wait3A_380 : memref<1x!tpu.dma_semaphore, #tpu.memory_space<semaphore_mem>> -> memref<!tpu.dma_semaphore, #tpu.memory_space<semaphore_mem>>
    %dma_wait3A_382 = arith.constant 0 : i32
    %dma_wait3A_383 = tpu.memref_slice %arg4[%mul3A_2, %dma_wait3A_382] : memref<819200x64xf32, #tpu.memory_space<hbm>> -> memref<128x64xf32, #tpu.memory_space<hbm>>
    %dma_wait3A_384 = arith.constant 0 : i32
    %dma_wait3A_385 = arith.constant 0 : i32
    %dma_wait3A_386 = tpu.memref_slice %arg6[%dma_wait3A_372, %dma_wait3A_384, %dma_wait3A_385] : memref<8x128x64xf32, #tpu.memory_space<vmem>> -> memref<1x128x64xf32, #tpu.memory_space<vmem>>
    %dma_wait3A_387 = tpu.memref_squeeze %dma_wait3A_386 : memref<1x128x64xf32, #tpu.memory_space<vmem>> -> memref<128x64xf32, #tpu.memory_space<vmem>>
    tpu.wait_dma2 semaphore(%dma_wait3A_381 : memref<!tpu.dma_semaphore, #tpu.memory_space<semaphore_mem>>) src(%dma_wait3A_387 : memref<128x64xf32, #tpu.memory_space<vmem>>) dst(%dma_wait3A_383 : memref<128x64xf32, #tpu.memory_space<hbm>>)
    %dma_wait3A_388 = arith.constant 1 : i32
    %dma_wait3A_389 = arith.constant 1 : i32
    %dma_wait3A_390 = arith.constant 0 : i32
    %dma_wait3A_391 = arith.constant 0 : i32
    %dma_wait3A_392 = tpu.memref_slice %arg6[%dma_wait3A_388, %dma_wait3A_390, %dma_wait3A_391] : memref<8x128x64xf32, #tpu.memory_space<vmem>> -> memref<1x128x64xf32, #tpu.memory_space<vmem>>
    %dma_wait3A_393 = tpu.memref_squeeze %dma_wait3A_392 : memref<1x128x64xf32, #tpu.memory_space<vmem>> -> memref<128x64xf32, #tpu.memory_space<vmem>>
    %dma_wait3A_394 = arith.constant 0 : i32
    %dma_wait3A_395 = tpu.memref_slice %arg4[%mul3A_2, %dma_wait3A_394] : memref<819200x64xf32, #tpu.memory_space<hbm>> -> memref<128x64xf32, #tpu.memory_space<hbm>>
    %dma_wait3A_396 = tpu.memref_slice %arg8[%dma_wait3A_389] : memref<8x!tpu.dma_semaphore, #tpu.memory_space<semaphore_mem>> -> memref<1x!tpu.dma_semaphore, #tpu.memory_space<semaphore_mem>>
    %dma_wait3A_397 = tpu.memref_squeeze %dma_wait3A_396 : memref<1x!tpu.dma_semaphore, #tpu.memory_space<semaphore_mem>> -> memref<!tpu.dma_semaphore, #tpu.memory_space<semaphore_mem>>
    %dma_wait3A_398 = arith.constant 0 : i32
    %dma_wait3A_399 = tpu.memref_slice %arg4[%mul3A_2, %dma_wait3A_398] : memref<819200x64xf32, #tpu.memory_space<hbm>> -> memref<128x64xf32, #tpu.memory_space<hbm>>
    %dma_wait3A_400 = arith.constant 0 : i32
    %dma_wait3A_401 = arith.constant 0 : i32
    %dma_wait3A_402 = tpu.memref_slice %arg6[%dma_wait3A_388, %dma_wait3A_400, %dma_wait3A_401] : memref<8x128x64xf32, #tpu.memory_space<vmem>> -> memref<1x128x64xf32, #tpu.memory_space<vmem>>
    %dma_wait3A_403 = tpu.memref_squeeze %dma_wait3A_402 : memref<1x128x64xf32, #tpu.memory_space<vmem>> -> memref<128x64xf32, #tpu.memory_space<vmem>>
    tpu.wait_dma2 semaphore(%dma_wait3A_397 : memref<!tpu.dma_semaphore, #tpu.memory_space<semaphore_mem>>) src(%dma_wait3A_403 : memref<128x64xf32, #tpu.memory_space<vmem>>) dst(%dma_wait3A_399 : memref<128x64xf32, #tpu.memory_space<hbm>>)
    %dma_wait3A_404 = arith.constant 2 : i32
    %dma_wait3A_405 = arith.constant 2 : i32
    %dma_wait3A_406 = arith.constant 0 : i32
    %dma_wait3A_407 = arith.constant 0 : i32
    %dma_wait3A_408 = tpu.memref_slice %arg6[%dma_wait3A_404, %dma_wait3A_406, %dma_wait3A_407] : memref<8x128x64xf32, #tpu.memory_space<vmem>> -> memref<1x128x64xf32, #tpu.memory_space<vmem>>
    %dma_wait3A_409 = tpu.memref_squeeze %dma_wait3A_408 : memref<1x128x64xf32, #tpu.memory_space<vmem>> -> memref<128x64xf32, #tpu.memory_space<vmem>>
    %dma_wait3A_410 = arith.constant 0 : i32
    %dma_wait3A_411 = tpu.memref_slice %arg4[%mul3A_2, %dma_wait3A_410] : memref<819200x64xf32, #tpu.memory_space<hbm>> -> memref<128x64xf32, #tpu.memory_space<hbm>>
    %dma_wait3A_412 = tpu.memref_slice %arg8[%dma_wait3A_405] : memref<8x!tpu.dma_semaphore, #tpu.memory_space<semaphore_mem>> -> memref<1x!tpu.dma_semaphore, #tpu.memory_space<semaphore_mem>>
    %dma_wait3A_413 = tpu.memref_squeeze %dma_wait3A_412 : memref<1x!tpu.dma_semaphore, #tpu.memory_space<semaphore_mem>> -> memref<!tpu.dma_semaphore, #tpu.memory_space<semaphore_mem>>
    %dma_wait3A_414 = arith.constant 0 : i32
    %dma_wait3A_415 = tpu.memref_slice %arg4[%mul3A_2, %dma_wait3A_414] : memref<819200x64xf32, #tpu.memory_space<hbm>> -> memref<128x64xf32, #tpu.memory_space<hbm>>
    %dma_wait3A_416 = arith.constant 0 : i32
    %dma_wait3A_417 = arith.constant 0 : i32
    %dma_wait3A_418 = tpu.memref_slice %arg6[%dma_wait3A_404, %dma_wait3A_416, %dma_wait3A_417] : memref<8x128x64xf32, #tpu.memory_space<vmem>> -> memref<1x128x64xf32, #tpu.memory_space<vmem>>
    %dma_wait3A_419 = tpu.memref_squeeze %dma_wait3A_418 : memref<1x128x64xf32, #tpu.memory_space<vmem>> -> memref<128x64xf32, #tpu.memory_space<vmem>>
    tpu.wait_dma2 semaphore(%dma_wait3A_413 : memref<!tpu.dma_semaphore, #tpu.memory_space<semaphore_mem>>) src(%dma_wait3A_419 : memref<128x64xf32, #tpu.memory_space<vmem>>) dst(%dma_wait3A_415 : memref<128x64xf32, #tpu.memory_space<hbm>>)
    %dma_wait3A_420 = arith.constant 3 : i32
    %dma_wait3A_421 = arith.constant 3 : i32
    %dma_wait3A_422 = arith.constant 0 : i32
    %dma_wait3A_423 = arith.constant 0 : i32
    %dma_wait3A_424 = tpu.memref_slice %arg6[%dma_wait3A_420, %dma_wait3A_422, %dma_wait3A_423] : memref<8x128x64xf32, #tpu.memory_space<vmem>> -> memref<1x128x64xf32, #tpu.memory_space<vmem>>
    %dma_wait3A_425 = tpu.memref_squeeze %dma_wait3A_424 : memref<1x128x64xf32, #tpu.memory_space<vmem>> -> memref<128x64xf32, #tpu.memory_space<vmem>>
    %dma_wait3A_426 = arith.constant 0 : i32
    %dma_wait3A_427 = tpu.memref_slice %arg4[%mul3A_2, %dma_wait3A_426] : memref<819200x64xf32, #tpu.memory_space<hbm>> -> memref<128x64xf32, #tpu.memory_space<hbm>>
    %dma_wait3A_428 = tpu.memref_slice %arg8[%dma_wait3A_421] : memref<8x!tpu.dma_semaphore, #tpu.memory_space<semaphore_mem>> -> memref<1x!tpu.dma_semaphore, #tpu.memory_space<semaphore_mem>>
    %dma_wait3A_429 = tpu.memref_squeeze %dma_wait3A_428 : memref<1x!tpu.dma_semaphore, #tpu.memory_space<semaphore_mem>> -> memref<!tpu.dma_semaphore, #tpu.memory_space<semaphore_mem>>
    %dma_wait3A_430 = arith.constant 0 : i32
    %dma_wait3A_431 = tpu.memref_slice %arg4[%mul3A_2, %dma_wait3A_430] : memref<819200x64xf32, #tpu.memory_space<hbm>> -> memref<128x64xf32, #tpu.memory_space<hbm>>
    %dma_wait3A_432 = arith.constant 0 : i32
    %dma_wait3A_433 = arith.constant 0 : i32
    %dma_wait3A_434 = tpu.memref_slice %arg6[%dma_wait3A_420, %dma_wait3A_432, %dma_wait3A_433] : memref<8x128x64xf32, #tpu.memory_space<vmem>> -> memref<1x128x64xf32, #tpu.memory_space<vmem>>
    %dma_wait3A_435 = tpu.memref_squeeze %dma_wait3A_434 : memref<1x128x64xf32, #tpu.memory_space<vmem>> -> memref<128x64xf32, #tpu.memory_space<vmem>>
    tpu.wait_dma2 semaphore(%dma_wait3A_429 : memref<!tpu.dma_semaphore, #tpu.memory_space<semaphore_mem>>) src(%dma_wait3A_435 : memref<128x64xf32, #tpu.memory_space<vmem>>) dst(%dma_wait3A_431 : memref<128x64xf32, #tpu.memory_space<hbm>>)
    %dma_wait3A_436 = arith.constant 4 : i32
    %dma_wait3A_437 = arith.constant 4 : i32
    %dma_wait3A_438 = arith.constant 0 : i32
    %dma_wait3A_439 = arith.constant 0 : i32
    %dma_wait3A_440 = tpu.memref_slice %arg6[%dma_wait3A_436, %dma_wait3A_438, %dma_wait3A_439] : memref<8x128x64xf32, #tpu.memory_space<vmem>> -> memref<1x128x64xf32, #tpu.memory_space<vmem>>
    %dma_wait3A_441 = tpu.memref_squeeze %dma_wait3A_440 : memref<1x128x64xf32, #tpu.memory_space<vmem>> -> memref<128x64xf32, #tpu.memory_space<vmem>>
    %dma_wait3A_442 = arith.constant 0 : i32
    %dma_wait3A_443 = tpu.memref_slice %arg4[%mul3A_2, %dma_wait3A_442] : memref<819200x64xf32, #tpu.memory_space<hbm>> -> memref<128x64xf32, #tpu.memory_space<hbm>>
    %dma_wait3A_444 = tpu.memref_slice %arg8[%dma_wait3A_437] : memref<8x!tpu.dma_semaphore, #tpu.memory_space<semaphore_mem>> -> memref<1x!tpu.dma_semaphore, #tpu.memory_space<semaphore_mem>>
    %dma_wait3A_445 = tpu.memref_squeeze %dma_wait3A_444 : memref<1x!tpu.dma_semaphore, #tpu.memory_space<semaphore_mem>> -> memref<!tpu.dma_semaphore, #tpu.memory_space<semaphore_mem>>
    %dma_wait3A_446 = arith.constant 0 : i32
    %dma_wait3A_447 = tpu.memref_slice %arg4[%mul3A_2, %dma_wait3A_446] : memref<819200x64xf32, #tpu.memory_space<hbm>> -> memref<128x64xf32, #tpu.memory_space<hbm>>
    %dma_wait3A_448 = arith.constant 0 : i32
    %dma_wait3A_449 = arith.constant 0 : i32
    %dma_wait3A_450 = tpu.memref_slice %arg6[%dma_wait3A_436, %dma_wait3A_448, %dma_wait3A_449] : memref<8x128x64xf32, #tpu.memory_space<vmem>> -> memref<1x128x64xf32, #tpu.memory_space<vmem>>
    %dma_wait3A_451 = tpu.memref_squeeze %dma_wait3A_450 : memref<1x128x64xf32, #tpu.memory_space<vmem>> -> memref<128x64xf32, #tpu.memory_space<vmem>>
    tpu.wait_dma2 semaphore(%dma_wait3A_445 : memref<!tpu.dma_semaphore, #tpu.memory_space<semaphore_mem>>) src(%dma_wait3A_451 : memref<128x64xf32, #tpu.memory_space<vmem>>) dst(%dma_wait3A_447 : memref<128x64xf32, #tpu.memory_space<hbm>>)
    %dma_wait3A_452 = arith.constant 5 : i32
    %dma_wait3A_453 = arith.constant 5 : i32
    %dma_wait3A_454 = arith.constant 0 : i32
    %dma_wait3A_455 = arith.constant 0 : i32
    %dma_wait3A_456 = tpu.memref_slice %arg6[%dma_wait3A_452, %dma_wait3A_454, %dma_wait3A_455] : memref<8x128x64xf32, #tpu.memory_space<vmem>> -> memref<1x128x64xf32, #tpu.memory_space<vmem>>
    %dma_wait3A_457 = tpu.memref_squeeze %dma_wait3A_456 : memref<1x128x64xf32, #tpu.memory_space<vmem>> -> memref<128x64xf32, #tpu.memory_space<vmem>>
    %dma_wait3A_458 = arith.constant 0 : i32
    %dma_wait3A_459 = tpu.memref_slice %arg4[%mul3A_2, %dma_wait3A_458] : memref<819200x64xf32, #tpu.memory_space<hbm>> -> memref<128x64xf32, #tpu.memory_space<hbm>>
    %dma_wait3A_460 = tpu.memref_slice %arg8[%dma_wait3A_453] : memref<8x!tpu.dma_semaphore, #tpu.memory_space<semaphore_mem>> -> memref<1x!tpu.dma_semaphore, #tpu.memory_space<semaphore_mem>>
    %dma_wait3A_461 = tpu.memref_squeeze %dma_wait3A_460 : memref<1x!tpu.dma_semaphore, #tpu.memory_space<semaphore_mem>> -> memref<!tpu.dma_semaphore, #tpu.memory_space<semaphore_mem>>
    %dma_wait3A_462 = arith.constant 0 : i32
    %dma_wait3A_463 = tpu.memref_slice %arg4[%mul3A_2, %dma_wait3A_462] : memref<819200x64xf32, #tpu.memory_space<hbm>> -> memref<128x64xf32, #tpu.memory_space<hbm>>
    %dma_wait3A_464 = arith.constant 0 : i32
    %dma_wait3A_465 = arith.constant 0 : i32
    %dma_wait3A_466 = tpu.memref_slice %arg6[%dma_wait3A_452, %dma_wait3A_464, %dma_wait3A_465] : memref<8x128x64xf32, #tpu.memory_space<vmem>> -> memref<1x128x64xf32, #tpu.memory_space<vmem>>
    %dma_wait3A_467 = tpu.memref_squeeze %dma_wait3A_466 : memref<1x128x64xf32, #tpu.memory_space<vmem>> -> memref<128x64xf32, #tpu.memory_space<vmem>>
    tpu.wait_dma2 semaphore(%dma_wait3A_461 : memref<!tpu.dma_semaphore, #tpu.memory_space<semaphore_mem>>) src(%dma_wait3A_467 : memref<128x64xf32, #tpu.memory_space<vmem>>) dst(%dma_wait3A_463 : memref<128x64xf32, #tpu.memory_space<hbm>>)
    %dma_wait3A_468 = arith.constant 6 : i32
    %dma_wait3A_469 = arith.constant 6 : i32
    %dma_wait3A_470 = arith.constant 0 : i32
    %dma_wait3A_471 = arith.constant 0 : i32
    %dma_wait3A_472 = tpu.memref_slice %arg6[%dma_wait3A_468, %dma_wait3A_470, %dma_wait3A_471] : memref<8x128x64xf32, #tpu.memory_space<vmem>> -> memref<1x128x64xf32, #tpu.memory_space<vmem>>
    %dma_wait3A_473 = tpu.memref_squeeze %dma_wait3A_472 : memref<1x128x64xf32, #tpu.memory_space<vmem>> -> memref<128x64xf32, #tpu.memory_space<vmem>>
    %dma_wait3A_474 = arith.constant 0 : i32
    %dma_wait3A_475 = tpu.memref_slice %arg4[%mul3A_2, %dma_wait3A_474] : memref<819200x64xf32, #tpu.memory_space<hbm>> -> memref<128x64xf32, #tpu.memory_space<hbm>>
    %dma_wait3A_476 = tpu.memref_slice %arg8[%dma_wait3A_469] : memref<8x!tpu.dma_semaphore, #tpu.memory_space<semaphore_mem>> -> memref<1x!tpu.dma_semaphore, #tpu.memory_space<semaphore_mem>>
    %dma_wait3A_477 = tpu.memref_squeeze %dma_wait3A_476 : memref<1x!tpu.dma_semaphore, #tpu.memory_space<semaphore_mem>> -> memref<!tpu.dma_semaphore, #tpu.memory_space<semaphore_mem>>
    %dma_wait3A_478 = arith.constant 0 : i32
    %dma_wait3A_479 = tpu.memref_slice %arg4[%mul3A_2, %dma_wait3A_478] : memref<819200x64xf32, #tpu.memory_space<hbm>> -> memref<128x64xf32, #tpu.memory_space<hbm>>
    %dma_wait3A_480 = arith.constant 0 : i32
    %dma_wait3A_481 = arith.constant 0 : i32
    %dma_wait3A_482 = tpu.memref_slice %arg6[%dma_wait3A_468, %dma_wait3A_480, %dma_wait3A_481] : memref<8x128x64xf32, #tpu.memory_space<vmem>> -> memref<1x128x64xf32, #tpu.memory_space<vmem>>
    %dma_wait3A_483 = tpu.memref_squeeze %dma_wait3A_482 : memref<1x128x64xf32, #tpu.memory_space<vmem>> -> memref<128x64xf32, #tpu.memory_space<vmem>>
    tpu.wait_dma2 semaphore(%dma_wait3A_477 : memref<!tpu.dma_semaphore, #tpu.memory_space<semaphore_mem>>) src(%dma_wait3A_483 : memref<128x64xf32, #tpu.memory_space<vmem>>) dst(%dma_wait3A_479 : memref<128x64xf32, #tpu.memory_space<hbm>>)
    %dma_wait3A_484 = arith.constant 7 : i32
    %dma_wait3A_485 = arith.constant 7 : i32
    %dma_wait3A_486 = arith.constant 0 : i32
    %dma_wait3A_487 = arith.constant 0 : i32
    %dma_wait3A_488 = tpu.memref_slice %arg6[%dma_wait3A_484, %dma_wait3A_486, %dma_wait3A_487] : memref<8x128x64xf32, #tpu.memory_space<vmem>> -> memref<1x128x64xf32, #tpu.memory_space<vmem>>
    %dma_wait3A_489 = tpu.memref_squeeze %dma_wait3A_488 : memref<1x128x64xf32, #tpu.memory_space<vmem>> -> memref<128x64xf32, #tpu.memory_space<vmem>>
    %dma_wait3A_490 = arith.constant 0 : i32
    %dma_wait3A_491 = tpu.memref_slice %arg4[%mul3A_2, %dma_wait3A_490] : memref<819200x64xf32, #tpu.memory_space<hbm>> -> memref<128x64xf32, #tpu.memory_space<hbm>>
    %dma_wait3A_492 = tpu.memref_slice %arg8[%dma_wait3A_485] : memref<8x!tpu.dma_semaphore, #tpu.memory_space<semaphore_mem>> -> memref<1x!tpu.dma_semaphore, #tpu.memory_space<semaphore_mem>>
    %dma_wait3A_493 = tpu.memref_squeeze %dma_wait3A_492 : memref<1x!tpu.dma_semaphore, #tpu.memory_space<semaphore_mem>> -> memref<!tpu.dma_semaphore, #tpu.memory_space<semaphore_mem>>
    %dma_wait3A_494 = arith.constant 0 : i32
    %dma_wait3A_495 = tpu.memref_slice %arg4[%mul3A_2, %dma_wait3A_494] : memref<819200x64xf32, #tpu.memory_space<hbm>> -> memref<128x64xf32, #tpu.memory_space<hbm>>
    %dma_wait3A_496 = arith.constant 0 : i32
    %dma_wait3A_497 = arith.constant 0 : i32
    %dma_wait3A_498 = tpu.memref_slice %arg6[%dma_wait3A_484, %dma_wait3A_496, %dma_wait3A_497] : memref<8x128x64xf32, #tpu.memory_space<vmem>> -> memref<1x128x64xf32, #tpu.memory_space<vmem>>
    %dma_wait3A_499 = tpu.memref_squeeze %dma_wait3A_498 : memref<1x128x64xf32, #tpu.memory_space<vmem>> -> memref<128x64xf32, #tpu.memory_space<vmem>>
    tpu.wait_dma2 semaphore(%dma_wait3A_493 : memref<!tpu.dma_semaphore, #tpu.memory_space<semaphore_mem>>) src(%dma_wait3A_499 : memref<128x64xf32, #tpu.memory_space<vmem>>) dst(%dma_wait3A_495 : memref<128x64xf32, #tpu.memory_space<hbm>>)
    return
  }
}

</mosaic_0001>

<sc_bundles>
// kernel: kernel.3.cloned.1.call-start
scs
__scs_entry_jumppad:
0x0: {  	(pc) =	sbr.rel $0x88, $3  }
0x1: {  	(tag) =	ssettag $0x0;
	lr =	simm.s32 $0x1  }
0x2: {  	[smem:$0x3F9F] =	sst lr;
	_ =	strace $0xD0000000  }
0x3: {  	_ = 	snop  }
0x4: {  	_ = 	snop  }
0x5: {  	_ = 	snop  }
0x6: {  	_ = 	snop  }
0x7: {  	_ = 	snop  }
__scs_overlays_trampoline_lowered:
0x8: {  	[smem:$0x3FAE] =	sst s0  }
0x9: {  	[smem:$0x3FAF] =	sst s1  }
0xa: {  	[smem:$0x3FB0] =	sst s2  }
0xb: {  	[smem:$0x3FB1] =	sst s3  }
0xc: {  	[smem:$0x3FB2] =	sst s4  }
0xd: {  	[smem:$0x3FB3] =	sst s5  }
0xe: {  	[smem:$0x3FB4] =	sst s6  }
0xf: {  	[smem:$0x3FB5] =	sst s7  }
0x10: {  	[smem:$0x3FB6] =	sst s8  }
0x11: {  	[smem:$0x3FB7] =	sst s9;
	s0 =	simm.s32 @!p0 $0x0  }
0x12: {  	s1 =	sld [smem:$0x3F9D];
	s0 =	simm.s32 @p0 $0x1  }
0x13: {  	[smem:$0x3FB8] =	sst s0;
	s0 =	simm.s32 @!p1 $0x0  }
0x14: {  	s2 =	sld [smem:$0x3F9C];
	s0 =	simm.s32 @p1 $0x1  }
0x15: {  	[smem:$0x3FB9] =	sst s0;
	s0 =	simm.s32 @!p2 $0x0  }
0x16: {  	s3 =	sld [smem:$0x3FDB];
	s0 =	simm.s32 @p2 $0x1  }
0x17: {  	s4 =	simm.s32 $0x1BF5;
	[smem:$0x3FBB] =	sst s0  }
0x18: {  	s0 =	sld [smem:$0x3F9E];
	_ =	swait.ge [sflag:s4], $0x0  }
0x19: {  	s7 =	sld [smem:$0x3F9F]  }
0x1a: {  	s8 =	sadd.s32 $0xFFFFE003, lr  }
0x1b: {  	s9 =	sadd.s32 $0xFFFFFEF7, lr;
	s5 =	simm.s32 $0xFFFFFFFF;
	p2 =	slt.u32 s8, $0xFFFFF086  }
0x1c: {  	p1 =	slt.u32 s9, $0xF7A;
	s5 =	simm.s32 @!p2 $0x0  }
0x1d: {  	s5 =	simm.s32 @p1 $0x1;
	p0 =	seq.s32 s7, s2  }
0x1e: {  	s7 =	smul.u32 @!p0 $0xF7A, s2;
	p2 =	seq.s32 @!p0 s5, $0x0  }
0x1f: {  	s9 =	smul.u32 $0xF7A, s1;
	s8 =	simm.s32 @!p0 $0x1BF5;
	p2 =	por !p2, p0  }
0x20: {  	[sflag:s8] =	ssyncset.s32 @!p0 $0xFFFFF086;
	s6 =	sadd.s32 @!p0 s3, s7;
	s7 =	simm.s32 @!p0 $0x108  }
0x21: {  	s3 =	sadd.s32 s3, s9;
	s6 =	sadd.s32 @!p0 $0x88, s6;
	s7 =	simm.s32 @p2 $0x1082  }
0x22: {  	[simem:s7], [sflag:s8] =	dma.local @!p0 [hbm:s6], $0xF7A  }
0x23: {  	s9 =	sor.u32 $0xD0000000, s2;
	s6 =	simm.s32 $0x108;
	_ =	swait.ge @!p0 [sflag:s8], $0x0  }
0x24: {  	s3 =	sadd.s32 $0x88, s3;
	s6 =	simm.s32 @!p1 $0x1082;
	[sflag:s4] =	ssyncset.s32 $0xFFFFF086  }
0x25: {  	[simem:s6], [sflag:s4] =	dma.local [hbm:s3], $0xF7A  }
0x26: {  	[smem:$0x3F9F] =	sst s1;
	(tag) =	ssettag s2;
	_ =	strace s9  }
0x27: {  	s1 =	sld [smem:$0x3FAF]  }
0x28: {  	s2 =	sld [smem:$0x3FB0]  }
0x29: {  	s4 =	sld [smem:$0x3FB2]  }
0x2a: {  	p0 =	seq.s32 s5, $0x0;
	s5 =	sld [smem:$0x3FB3]  }
0x2b: {  	s6 =	sld [smem:$0x3FB4]  }
0x2c: {  	s7 =	sld [smem:$0x3FB5]  }
0x2d: {  	s3 =	simm.s32 $0x108;
	s8 =	sld [smem:$0x3FB6]  }
0x2e: {  	s3 =	simm.s32 @!p0 $0x1082;
	s9 =	sld [smem:$0x3FB7]  }
0x2f: {  	lr =	sadd.s32 s0, s3;
	s0 =	sld [smem:$0x3FAE]  }
0x30: {  	s3 =	sld [smem:$0x3FB1]  }
0x31: {  	[smem:$0x3FBA] =	sst s10  }
0x32: {  	s10 =	sld [smem:$0x3FB8];
	_ =	sdelay $0x3  }
0x33: {  	p0 =	seq.s32 s10, $0x1;
	s10 =	sld [smem:$0x3FBA];
	_ =	sdelay $0x3  }
0x34: {  	[smem:$0x3FBA] =	sst s10  }
0x35: {  	s10 =	sld [smem:$0x3FB9];
	_ =	sdelay $0x3  }
0x36: {  	p1 =	seq.s32 s10, $0x1;
	s10 =	sld [smem:$0x3FBA];
	_ =	sdelay $0x3  }
0x37: {  	[smem:$0x3FBA] =	sst s10  }
0x38: {  	s10 =	sld [smem:$0x3FBB]  }
0x39: {  	_ = 	snop;
	(pc) =	sbr.ind lr, $3  }
0x3a: {  	_ = 	snop  }
0x3b: {  	_ = 	snop  }
0x3c: {  	p2 =	seq.s32 s10, $0x1;
	s10 =	sld [smem:$0x3FBA]  }
0x3d: {  	_ =	shalt  }
0x3e: {  	_ =	shalt  }
0x3f: {  	_ =	shalt  }
0x40: {  	_ =	shalt  }
0x41: {  	_ =	shalt  }
0x42: {  	_ =	shalt  }
0x43: {  	_ =	shalt  }
0x44: {  	_ =	shalt  }
0x45: {  	_ =	shalt  }
0x46: {  	_ =	shalt  }
0x47: {  	_ =	shalt  }
0x48: {  	_ =	shalt  }
0x49: {  	_ =	shalt  }
0x4a: {  	_ =	shalt  }
0x4b: {  	_ =	shalt  }
0x4c: {  	_ =	shalt  }
0x4d: {  	_ =	shalt  }
0x4e: {  	_ =	shalt  }
0x4f: {  	_ =	shalt  }
0x50: {  	_ =	shalt  }
0x51: {  	_ =	shalt  }
0x52: {  	_ =	shalt  }
0x53: {  	_ =	shalt  }
0x54: {  	_ =	shalt  }
0x55: {  	_ =	shalt  }
0x56: {  	_ =	shalt  }
0x57: {  	_ =	shalt  }
0x58: {  	_ =	shalt  }
0x59: {  	_ =	shalt  }
0x5a: {  	_ =	shalt  }
0x5b: {  	_ =	shalt  }
0x5c: {  	_ =	shalt  }
0x5d: {  	_ =	shalt  }
0x5e: {  	_ =	shalt  }
0x5f: {  	_ =	shalt  }
0x60: {  	_ =	shalt  }
0x61: {  	_ =	shalt  }
0x62: {  	_ =	shalt  }
0x63: {  	_ =	shalt  }
0x64: {  	_ =	shalt  }
0x65: {  	_ =	shalt  }
0x66: {  	_ =	shalt  }
0x67: {  	_ =	shalt  }
0x68: {  	_ =	shalt  }
0x69: {  	_ =	shalt  }
0x6a: {  	_ =	shalt  }
0x6b: {  	_ =	shalt  }
0x6c: {  	_ =	shalt  }
0x6d: {  	_ =	shalt  }
0x6e: {  	_ =	shalt  }
0x6f: {  	_ =	shalt  }
0x70: {  	_ =	shalt  }
0x71: {  	_ =	shalt  }
0x72: {  	_ =	shalt  }
0x73: {  	_ =	shalt  }
0x74: {  	_ =	shalt  }
0x75: {  	_ =	shalt  }
0x76: {  	_ =	shalt  }
0x77: {  	_ =	shalt  }
0x78: {  	_ =	shalt  }
0x79: {  	_ =	shalt  }
0x7a: {  	_ =	shalt  }
0x7b: {  	_ =	shalt  }
0x7c: {  	_ =	shalt  }
0x7d: {  	_ =	shalt  }
0x7e: {  	_ =	shalt  }
0x7f: {  	_ =	shalt  }
0x80: {  	_ =	shalt  }
0x81: {  	_ =	shalt  }
0x82: {  	_ =	shalt  }
0x83: {  	_ =	shalt  }
0x84: {  	_ =	shalt  }
0x85: {  	_ =	shalt  }
0x86: {  	_ =	shalt  }
0x87: {  	_ =	shalt  }
.Lfunc_end0:
.L_simem_size_0:
called_computation.1_lowered:
.L_overlay_start_0:
0x88: {  	s2 =	sld [smem:$0x3FD9]  }
0x89: {  	s3 =	sld [smem:$0x3FFE];
	_ =	sdelay $0x1  }
0x8a: {  	s1 =	srdreg.scid  }
0x8b: {  	s0 =	sand.u32 $0x1, s1  }
0x8c: {  	s17 =	sshll.u32 s0, $0xA;
	s2 =	sadd.s32 s3, s2  }
0x8d: {  	s2 =	sadd.s32 s2, s17  }
0x8e: {  	[smem:$0x3FC6] =	sst s2  }
0x8f: {  	_ = 	snop  }
0x90: {  	s2 =	sld [smem:$0x3FD0];
	(tm) =	ssettm $0x1  }
0x91: {  	s18 =	sld [smem:$0x3FFB];
	_ =	sdelay $0x3  }
0x92: {  	_ =	strace s18  }
0x93: {  	s3 =	sld [smem:$0x3FFC];
	_ =	sdelay $0x3  }
0x94: {  	_ =	strace s3  }
0x95: {  	s3 =	sld [smem:$0x3FFD];
	_ =	sdelay $0x3  }
0x96: {  	_ =	strace s3  }
0x97: {  	_ =	strace $0x8FFFFFFF  }
0x98: {  	s19 =	sld [smem:$0x3FDB];
	_ =	sdelay $0x1  }
0x99: {  	s4 =	simm.s32 $_scs_section_size  }
0x9a: {  	s5 =	simm.s32 $_size__tile_overlayer_lowered;
	s6 =	simm.s32 $_tile_overlayer_lowered  }
0x9b: {  	s22 =	simm.s32 $0x1BFF;
	s21 =	sshll.u32 s6, $0x1;
	s3 =	sadd.s32 s4, s19  }
0x9c: {  	s7 =	simm.s32 $0x0;
	s20 =	sshll.u32 s5, $0x1;
	s5 =	sadd.s32 s21, s3  }
0x9d: {  	[timem:s7], [sflag:s22] =	dma.local [hbm:s5], s20  }
0x9e: {  	_ =	swait.ge [sflag:s22], s20  }
0x9f: {  	s4 =	ssub.s32 $0x0, s20;
	[sflag:s22] =	ssyncset.done $0x0  }
0xa0: {  	[sflag:s22] =	ssyncadd.s32 s4;
	_ =	sdelay $0x1  }
0xa1: {  	s23 =	simm.s32 $0x1B8B  }
0xa2: {  	_ =	swait.ge [sflag:s23], $0x1  }
0xa3: {  	[sflag:s23] =	ssyncset.done $0x0  }
0xa4: {  	s25 =	simm.s32 $0x1B8E;
	s24 =	sld [smem:$0x3FFE];
	[sflag:s23] =	ssyncadd.s32 $0xFFFFFFFF  }
0xa5: {  	s26 =	simm.s32 $execute0_lowered;
	[smem:$0x3FD2] =	sst s25  }
0xa6: {  	s5 =	sshll.u32 s26, $0x1;
	_ =	strace $0x80000046;
	[dreg:$0x1] =	wrdreg $0xFFFFFFFF  }
0xa7: {  	s28 =	simm.s32 $_size_execute0_lowered;
	s3 =	sadd.s32 s3, s5;
	[dreg:$0x0] =	wrdreg $0x0  }
0xa8: {  	s5 =	sshll.u32 s28, $0x1;
	[dreg:$0x2] =	wrdreg s3  }
0xa9: {  	[dreg:$0x3] =	wrdreg s5  }
0xaa: {  	[dreg:$0x4] =	wrdreg $0xC0  }
0xab: {  	_ =	task [dreg:s7], $0x5FFFF  }
0xac: {  	[dreg:$0x1] =	wrdreg $0xFFFFFFFF  }
0xad: {  	[dreg:$0x0] =	wrdreg $0x60  }
0xae: {  	[dreg:$0x2] =	wrdreg s24  }
0xaf: {  	[dreg:$0x3] =	wrdreg s2  }
0xb0: {  	[dreg:$0x4] =	wrdreg $0x9  }
0xb1: {  	_ =	task.clear_ibuf [dreg:s7], $0x5FFFF;
	_ =	strace $0x90000046  }
0xb2: {  	s29 =	simm.s32 $0x9;
	_ =	strace $0x80000048  }
0xb3: {  	_ =	swait.ge [sflag:s29], $0x1  }
0xb4: {  	[sflag:s29] =	ssyncadd.s32 $0xFFFFFFFF  }
0xb5: {  	_ =	strace $0x90000048  }
0xb6: {  	_ =	sfence  }
0xb7: {  	s30 =	sld [smem:$0x0];
	_ =	sdelay $0x2  }
0xb8: {  	s31 =	sshll.u32 s1, $0xD;
	s1 =	sshrl.u32 s1, $0x2  }
0xb9: {  	s3 =	sand.u32 $0x4000, s31;
	s1 =	sadd.s32 s1, s30  }
0xba: {  	s0 =	sor.u32 s3, s0;
	s1 =	sshll.u32 s1, $0x11  }
0xbb: {  	s0 =	sor.u32 s1, s0  }
0xbc: {  	s0 =	sadd.s32 $0x8F2B, s0  }
0xbd: {  	[sflag:s0] =	ssyncadd.remote.s32 $0x1  }
0xbe: {  	_ =	sfence.sel $0xFFFF  }
0xbf: {  	[dreg:$0x0] =	wrdreg $0xFFFFFFFF;
	(pc) =	sbr.abs _section_cstart, $3  }
0xc0: {  	[dreg:$0x1] =	wrdreg $0xFFFFFFFF  }
0xc1: {  	_ =	task.clear_ibuf [dreg:s7], $0x2FFFF;
	_ =	strace $0x9FFFFFFF  }
0xc2: {  	(tm) =	ssettm $0x7FFFFFFF  }
0xc3: {  	_ =	shalt  }
tec
execute0_lowered:
.L_overlay_start_1:
0x0: {  	(tag) =	ssettag $0x1  }
0x1: {  	s0 =	srdreg.scid;
	s1 =	rddreg [dreg:$0x0]  }
0x2: {  	s7 =	stileid.u32;
	s10 =	rddreg [dreg:$0x1];
	s3 =	simm.s32 $0x0  }
0x3: {  	s28 =	simm.s32 $0x1;
	s30 =	simm.s32 $0x10400;
	s31 =	simm.s32 $0x2  }
0x4: {  	s0 =	sand.u32 $0x1, s0;
	s2 =	sshll.u32 s7, $0x1;
	s7 =	smul.u32 $0xC800, s7  }
0x5: {  	s2 =	sor.u32 s0, s2;
	s6 =	ssub.s32 $0x2, s0;
	s0 =	smul.u32 $0x6400, s0  }
0x6: {  	s29 =	simm.s32 $0x14400;
	[smem:$0x7FF] =	sst s3;
	s4 =	smul.u32 $0x6400, s2  }
0x7: {  	_ =	strace $0x80000047;
	s5 =	smul.u32 $0x32000, s2;
	s8 =	sshrl.u32 s6, $0x1  }
0x8: {  	s2 =	smul.u32 $0x190000, s2;
	s11 =	ssub.s32 s6, s8;
	s0 =	sadd.s32 s0, s7  }
0x9: {  	s7 =	simm.s32 $0xA;
	s8 =	simm.s32 $0x6;
	s4 =	sshrl.u32 s4, $0x3  }
0xa: {  	s13 =	sadd.s32 s10, s5;
	s0 =	sshll.u32 s0, $0x3;
	s2 =	sshrl.u32 s2, $0x3  }
0xb: {  	s5 =	simm.s32 $0x5;
	s15 =	sadd.s32 $0x400, s13;
	[dreg:$0xc] =	wrdreg s13  }
0xc: {  	s9 =	sadd.s32 s4, s1;
	s16 =	sadd.s32 $0x800, s13;
	[dreg:$0xe] =	wrdreg s15  }
0xd: {  	s4 =	sadd.s32 $0xF42E00, s1;
	s6 =	sadd.s32 $0xC00, s13;
	[dreg:$0xf] =	wrdreg s16  }
0xe: {  	s17 =	sor.u32 $0x1C00, s0;
	s18 =	sor.u32 $0x1800, s0;
	[dreg:$0x10] =	wrdreg s6  }
0xf: {  	s19 =	sor.u32 $0x1400, s0;
	s2 =	sadd.s32 s10, s2;
	[dreg:$0x3] =	wrdreg s17  }
0x10: {  	s20 =	sor.u32 $0x1000, s0;
	s22 =	sadd.s32 $0x2C00, s0;
	[dreg:$0x4] =	wrdreg s18  }
0x11: {  	s24 =	sadd.s32 $0x2800, s0;
	s26 =	sadd.s32 $0x2400, s0;
	[dreg:$0x5] =	wrdreg s19  }
0x12: {  	s0 =	sadd.s32 $0x2000, s0;
	s1 =	smax.u32 s11, $0x1;
	[dreg:$0x6] =	wrdreg s20  }
0x13: {  	s10 =	simm.s32 $0x7;
	s11 =	simm.s32 $0xC;
	[dreg:$0x7] =	wrdreg s22  }
0x14: {  	s13 =	simm.s32 $0xD;
	s12 =	sadd.s32 $0xA00, s9;
	[dreg:$0x8] =	wrdreg s24  }
0x15: {  	s14 =	sadd.s32 $0xA40, s9;
	s21 =	sadd.s32 $0x31000, s2;
	[dreg:$0x9] =	wrdreg s26  }
0x16: {  	s23 =	sadd.s32 $0x31400, s2;
	s25 =	sadd.s32 $0x31800, s2;
	[dreg:$0x15] =	wrdreg s1  }
0x17: {  	s2 =	sadd.s32 $0x31C00, s2;
	[dreg:$0xa] =	wrdreg s0;
	s18 =	simm.s32 $0x80  }
0x18: {  	s19 =	simm.s32 $0x6400;
	s20 =	simm.s32 $0x8400;
	[dreg:$0xb] =	wrdreg s12  }
0x19: {  	s22 =	simm.s32 $0xA400;
	s24 =	simm.s32 $0xC400;
	[dreg:$0xd] =	wrdreg s14  }
0x1a: {  	s26 =	simm.s32 $0xE400;
	s0 =	simm.s32 $0x12400;
	[dreg:$0x11] =	wrdreg s21  }
0x1b: {  	s1 =	simm.s32 $0x4;
	s9 =	simm.s32 $0xB;
	[dreg:$0x12] =	wrdreg s23  }
0x1c: {  	s17 =	simm.s32 $0xE;
	s15 =	simm.s32 $0x10;
	[dreg:$0x13] =	wrdreg s25  }
0x1d: {  	s6 =	simm.s32 $0x0;
	[dreg:$0x14] =	wrdreg s2;
	s21 =	simm.s32 $0x3  }
0x1e: {  	s23 =	simm.s32 $0x9;
	s12 =	simm.s32 $0x8;
	s14 =	simm.s32 $0xF  }
.LBB2_1:
0x1f: {  	[dreg:$0x16] =	wrdreg s6  }
0x20: {  	s2 =	rddreg [dreg:$0xb];
	s6 =	simm.s32 $0x12  }
0x21: {  	[tilespmem:s3], [sflag:$0x12] =	stream.linear.gather [hbm4b:s2+s3], $0x200, $0x38;
	[tilespmem:$0x16400] =	vst v63  }
0x22: {  	_ =	swait.ge [sflag:s6], $0x200  }
0x23: {  	[sflag:s6] =	ssyncset.done $0x0  }
0x24: {  	s16 =	rddreg [dreg:$0xd];
	[sflag:s6] =	ssyncadd.s32 $0xFFFFFE00;
	s6 =	simm.s32 $0x200  }
0x25: {  	[tilespmem:s6], [sflag:$0x11] =	stream.linear.gather [hbm4b:s16+s3], $0x6200, $0x38;
	[tilespmem:$0x16400] =	vst v63  }
0x26: {  	_ = 	snop  }
0x27: {  	[tilespmem:s19], [sflag:$0x1] =	stream.indirect.gather [hbm4b:s4+s18], $0x40, s3, s18, $0xb8;
	[tilespmem:$0x16400] =	vst v63  }
0x28: {  	_ = 	snop  }
0x29: {  	[tilespmem:s20], [sflag:$0x2] =	stream.indirect.gather [hbm4b:s4+s18], $0x40, s18, s18, $0xb8;
	[tilespmem:$0x16400] =	vst v63  }
0x2a: {  	s25 =	simm.s32 $0x100  }
0x2b: {  	[tilespmem:s22], [sflag:$0x3] =	stream.indirect.gather [hbm4b:s4+s18], $0x40, s25, s18, $0xb8;
	[tilespmem:$0x16400] =	vst v63  }
0x2c: {  	s16 =	simm.s32 $0x180;
	s25 =	simm.s32 $0x11  }
0x2d: {  	[tilespmem:s24], [sflag:$0x4] =	stream.indirect.gather [hbm4b:s4+s18], $0x40, s16, s18, $0xb8;
	[tilespmem:$0x16400] =	vst v63  }
0x2e: {  	_ =	swait.ge [sflag:s25], $0x6200  }
0x2f: {  	[sflag:s25] =	ssyncset.done $0x0  }
0x30: {  	[sflag:s25] =	ssyncadd.s32 $0xFFFF9E00  }
0x31: {  	[tilespmem:s26], [sflag:$0x5] =	stream.indirect.gather [hbm4b:s4+s18], $0x40, s6, s18, $0xb8;
	[tilespmem:$0x16400] =	vst v63  }
0x32: {  	_ =	swait.ge [sflag:s28], $0x2000  }
0x33: {  	[sflag:s28] =	ssyncset.done $0x0  }
0x34: {  	s6 =	rddreg [dreg:$0xc];
	[sflag:s28] =	ssyncadd.s32 $0xFFFFE000  }
0x35: {  	[hbm4b:s6+s3] =	stream.linear.scatter [tilespmem:s19], [sflag:$0x9], $0x2000, $0x38;
	[tilespmem:$0x16400] =	vst v63  }
0x36: {  	s16 =	simm.s32 $0x280  }
0x37: {  	[tilespmem:s30], [sflag:$0x6] =	stream.indirect.gather [hbm4b:s4+s18], $0x40, s16, s18, $0xb8;
	[tilespmem:$0x16400] =	vst v63  }
0x38: {  	_ =	swait.ge [sflag:s31], $0x2000  }
0x39: {  	[sflag:s31] =	ssyncset.done $0x0  }
0x3a: {  	s25 =	rddreg [dreg:$0xe];
	[sflag:s31] =	ssyncadd.s32 $0xFFFFE000  }
0x3b: {  	[hbm4b:s25+s3] =	stream.linear.scatter [tilespmem:s20], [sflag:$0xA], $0x2000, $0x38;
	[tilespmem:$0x16400] =	vst v63  }
0x3c: {  	s6 =	simm.s32 $0x300  }
0x3d: {  	[tilespmem:s0], [sflag:$0x7] =	stream.indirect.gather [hbm4b:s4+s18], $0x40, s6, s18, $0xb8;
	[tilespmem:$0x16400] =	vst v63  }
0x3e: {  	_ =	swait.ge [sflag:s21], $0x2000  }
0x3f: {  	[sflag:s21] =	ssyncset.done $0x0  }
0x40: {  	s16 =	rddreg [dreg:$0xf];
	[sflag:s21] =	ssyncadd.s32 $0xFFFFE000  }
0x41: {  	[hbm4b:s16+s3] =	stream.linear.scatter [tilespmem:s22], [sflag:$0xB], $0x2000, $0x38;
	[tilespmem:$0x16400] =	vst v63  }
0x42: {  	s25 =	simm.s32 $0x380  }
0x43: {  	[tilespmem:s29], [sflag:$0x8] =	stream.indirect.gather [hbm4b:s4+s18], $0x40, s25, s18, $0xb8;
	[tilespmem:$0x16400] =	vst v63  }
0x44: {  	_ =	swait.ge [sflag:s1], $0x2000  }
0x45: {  	[sflag:s1] =	ssyncset.done $0x0  }
0x46: {  	s6 =	rddreg [dreg:$0x10];
	[sflag:s1] =	ssyncadd.s32 $0xFFFFE000  }
0x47: {  	[hbm4b:s6+s3] =	stream.linear.scatter [tilespmem:s24], [sflag:$0xC], $0x2000, $0x38;
	[tilespmem:$0x16400] =	vst v63  }
0x48: {  	_ =	swait.ge [sflag:s23], $0x2000  }
0x49: {  	[sflag:s23] =	ssyncset.done $0x0  }
0x4a: {  	s16 =	simm.s32 $0x400;
	[sflag:s23] =	ssyncadd.s32 $0xFFFFE000  }
0x4b: {  	[tilespmem:s19], [sflag:$0x1] =	stream.indirect.gather [hbm4b:s4+s18], $0x40, s16, s18, $0xb8;
	[tilespmem:$0x16400] =	vst v63  }
0x4c: {  	_ =	swait.ge [sflag:s5], $0x2000  }
0x4d: {  	[sflag:s5] =	ssyncset.done $0x0  }
0x4e: {  	s25 =	rddreg [dreg:$0x6];
	[sflag:s5] =	ssyncadd.s32 $0xFFFFE000  }
0x4f: {  	s6 =	rddreg [dreg:$0x1]  }
0x50: {  	s2 =	sadd.s32 s6, s25  }
0x51: {  	[hbm4b:s2+s3] =	stream.linear.scatter [tilespmem:s26], [sflag:$0xD], $0x2000, $0x38;
	[tilespmem:$0x16400] =	vst v63  }
0x52: {  	_ =	swait.ge [sflag:s7], $0x2000  }
0x53: {  	[sflag:s7] =	ssyncset.done $0x0  }
0x54: {  	s16 =	simm.s32 $0x480;
	[sflag:s7] =	ssyncadd.s32 $0xFFFFE000  }
0x55: {  	[tilespmem:s20], [sflag:$0x2] =	stream.indirect.gather [hbm4b:s4+s18], $0x40, s16, s18, $0xb8;
	[tilespmem:$0x16400] =	vst v63  }
0x56: {  	_ =	swait.ge [sflag:s8], $0x2000  }
0x57: {  	s25 =	rddreg [dreg:$0x5];
	[sflag:s8] =	ssyncset.done $0x0  }
0x58: {  	[sflag:s8] =	ssyncadd.s32 $0xFFFFE000;
	s2 =	sadd.s32 s6, s25  }
0x59: {  	[hbm4b:s2+s3] =	stream.linear.scatter [tilespmem:s30], [sflag:$0xE], $0x2000, $0x38;
	[tilespmem:$0x16400] =	vst v63  }
0x5a: {  	_ =	swait.ge [sflag:s9], $0x2000  }
0x5b: {  	[sflag:s9] =	ssyncset.done $0x0  }
0x5c: {  	s16 =	simm.s32 $0x500;
	[sflag:s9] =	ssyncadd.s32 $0xFFFFE000  }
0x5d: {  	[tilespmem:s22], [sflag:$0x3] =	stream.indirect.gather [hbm4b:s4+s18], $0x40, s16, s18, $0xb8;
	[tilespmem:$0x16400] =	vst v63  }
0x5e: {  	_ =	swait.ge [sflag:s10], $0x2000  }
0x5f: {  	s25 =	rddreg [dreg:$0x4];
	[sflag:s10] =	ssyncset.done $0x0  }
0x60: {  	[sflag:s10] =	ssyncadd.s32 $0xFFFFE000;
	s2 =	sadd.s32 s6, s25  }
0x61: {  	[hbm4b:s2+s3] =	stream.linear.scatter [tilespmem:s0], [sflag:$0xF], $0x2000, $0x38;
	[tilespmem:$0x16400] =	vst v63  }
0x62: {  	_ =	swait.ge [sflag:s11], $0x2000  }
0x63: {  	[sflag:s11] =	ssyncset.done $0x0  }
0x64: {  	s16 =	simm.s32 $0x580;
	[sflag:s11] =	ssyncadd.s32 $0xFFFFE000  }
0x65: {  	[tilespmem:s24], [sflag:$0x4] =	stream.indirect.gather [hbm4b:s4+s18], $0x40, s16, s18, $0xb8;
	[tilespmem:$0x16400] =	vst v63  }
0x66: {  	_ =	swait.ge [sflag:s12], $0x2000  }
0x67: {  	s25 =	rddreg [dreg:$0x3];
	[sflag:s12] =	ssyncset.done $0x0  }
0x68: {  	[sflag:s12] =	ssyncadd.s32 $0xFFFFE000;
	s2 =	sadd.s32 s6, s25  }
0x69: {  	[hbm4b:s2+s3] =	stream.linear.scatter [tilespmem:s29], [sflag:$0x10], $0x2000, $0x38;
	[tilespmem:$0x16400] =	vst v63  }
0x6a: {  	_ =	swait.ge [sflag:s13], $0x2000  }
0x6b: {  	[sflag:s13] =	ssyncset.done $0x0  }
0x6c: {  	s16 =	simm.s32 $0x600;
	[sflag:s13] =	ssyncadd.s32 $0xFFFFE000  }
0x6d: {  	[tilespmem:s26], [sflag:$0x5] =	stream.indirect.gather [hbm4b:s4+s18], $0x40, s16, s18, $0xb8;
	[tilespmem:$0x16400] =	vst v63  }
0x6e: {  	_ =	swait.ge [sflag:s28], $0x2000  }
0x6f: {  	s25 =	rddreg [dreg:$0xa];
	[sflag:s28] =	ssyncset.done $0x0  }
0x70: {  	[sflag:s28] =	ssyncadd.s32 $0xFFFFE000;
	s2 =	sadd.s32 s6, s25  }
0x71: {  	[hbm4b:s2+s3] =	stream.linear.scatter [tilespmem:s19], [sflag:$0x9], $0x2000, $0x38;
	[tilespmem:$0x16400] =	vst v63  }
0x72: {  	_ =	swait.ge [sflag:s17], $0x2000  }
0x73: {  	[sflag:s17] =	ssyncset.done $0x0  }
0x74: {  	s16 =	simm.s32 $0x680;
	[sflag:s17] =	ssyncadd.s32 $0xFFFFE000  }
0x75: {  	[tilespmem:s30], [sflag:$0x6] =	stream.indirect.gather [hbm4b:s4+s18], $0x40, s16, s18, $0xb8;
	[tilespmem:$0x16400] =	vst v63  }
0x76: {  	_ =	swait.ge [sflag:s31], $0x2000  }
0x77: {  	s25 =	rddreg [dreg:$0x9];
	[sflag:s31] =	ssyncset.done $0x0  }
0x78: {  	[sflag:s31] =	ssyncadd.s32 $0xFFFFE000;
	s2 =	sadd.s32 s6, s25  }
0x79: {  	[hbm4b:s2+s3] =	stream.linear.scatter [tilespmem:s20], [sflag:$0xA], $0x2000, $0x38;
	[tilespmem:$0x16400] =	vst v63  }
0x7a: {  	_ =	swait.ge [sflag:s14], $0x2000  }
0x7b: {  	[sflag:s14] =	ssyncset.done $0x0  }
0x7c: {  	s16 =	simm.s32 $0x700;
	[sflag:s14] =	ssyncadd.s32 $0xFFFFE000  }
0x7d: {  	[tilespmem:s0], [sflag:$0x7] =	stream.indirect.gather [hbm4b:s4+s18], $0x40, s16, s18, $0xb8;
	[tilespmem:$0x16400] =	vst v63  }
0x7e: {  	_ =	swait.ge [sflag:s21], $0x2000  }
0x7f: {  	s25 =	rddreg [dreg:$0x8];
	[sflag:s21] =	ssyncset.done $0x0  }
0x80: {  	[sflag:s21] =	ssyncadd.s32 $0xFFFFE000;
	s2 =	sadd.s32 s6, s25  }
0x81: {  	[hbm4b:s2+s3] =	stream.linear.scatter [tilespmem:s22], [sflag:$0xB], $0x2000, $0x38;
	[tilespmem:$0x16400] =	vst v63  }
0x82: {  	_ =	swait.ge [sflag:s15], $0x2000  }
0x83: {  	[sflag:s15] =	ssyncset.done $0x0  }
0x84: {  	s16 =	simm.s32 $0x780;
	[sflag:s15] =	ssyncadd.s32 $0xFFFFE000  }
0x85: {  	[tilespmem:s29], [sflag:$0x8] =	stream.indirect.gather [hbm4b:s4+s18], $0x40, s16, s18, $0xb8;
	[tilespmem:$0x16400] =	vst v63  }
0x86: {  	_ =	swait.ge [sflag:s1], $0x2000  }
0x87: {  	s16 =	simm.s32 $0x1000;
	s25 =	rddreg [dreg:$0x7];
	[sflag:s1] =	ssyncset.done $0x0  }
0x88: {  	[sflag:s1] =	ssyncadd.s32 $0xFFFFE000;
	s2 =	sadd.s32 s6, s25;
	s25 =	sadd.s32 $0x2000, s6  }
.LBB2_2:
0x89: {  	[hbm4b:s2+s3] =	stream.linear.scatter [tilespmem:s24], [sflag:$0xC], $0x2000, $0x38;
	[tilespmem:$0x16400] =	vst v63  }
0x8a: {  	s6 =	smov.u32 s16;
	_ =	swait.ge [sflag:s23], $0x2000  }
0x8b: {  	s2 =	sshra.s32 s6, $0x2;
	[sflag:s23] =	ssyncset.done $0x0  }
0x8c: {  	s6 =	sadd.s32 $0x400, s2;
	[sflag:s23] =	ssyncadd.s32 $0xFFFFE000  }
0x8d: {  	[tilespmem:s19], [sflag:$0x1] =	stream.indirect.gather [hbm4b:s4+s18], $0x40, s6, s18, $0xb8;
	[tilespmem:$0x16400] =	vst v63  }
0x8e: {  	_ =	swait.ge [sflag:s5], $0x2000  }
0x8f: {  	s6 =	rddreg [dreg:$0x6];
	[sflag:s5] =	ssyncset.done $0x0  }
0x90: {  	[sflag:s5] =	ssyncadd.s32 $0xFFFFE000;
	s6 =	sadd.s32 s25, s6  }
0x91: {  	[hbm4b:s6+s3] =	stream.linear.scatter [tilespmem:s26], [sflag:$0xD], $0x2000, $0x38;
	[tilespmem:$0x16400] =	vst v63  }
0x92: {  	_ =	swait.ge [sflag:s7], $0x2000  }
0x93: {  	[sflag:s7] =	ssyncset.done $0x0  }
0x94: {  	s6 =	sadd.s32 $0x480, s2;
	[sflag:s7] =	ssyncadd.s32 $0xFFFFE000  }
0x95: {  	[tilespmem:s20], [sflag:$0x2] =	stream.indirect.gather [hbm4b:s4+s18], $0x40, s6, s18, $0xb8;
	[tilespmem:$0x16400] =	vst v63  }
0x96: {  	_ =	swait.ge [sflag:s8], $0x2000  }
0x97: {  	s6 =	rddreg [dreg:$0x5];
	[sflag:s8] =	ssyncset.done $0x0  }
0x98: {  	[sflag:s8] =	ssyncadd.s32 $0xFFFFE000;
	s6 =	sadd.s32 s25, s6  }
0x99: {  	[hbm4b:s6+s3] =	stream.linear.scatter [tilespmem:s30], [sflag:$0xE], $0x2000, $0x38;
	[tilespmem:$0x16400] =	vst v63  }
0x9a: {  	_ =	swait.ge [sflag:s9], $0x2000  }
0x9b: {  	[sflag:s9] =	ssyncset.done $0x0  }
0x9c: {  	s6 =	sadd.s32 $0x500, s2;
	[sflag:s9] =	ssyncadd.s32 $0xFFFFE000  }
0x9d: {  	[tilespmem:s22], [sflag:$0x3] =	stream.indirect.gather [hbm4b:s4+s18], $0x40, s6, s18, $0xb8;
	[tilespmem:$0x16400] =	vst v63  }
0x9e: {  	_ =	swait.ge [sflag:s10], $0x2000  }
0x9f: {  	s6 =	rddreg [dreg:$0x4];
	[sflag:s10] =	ssyncset.done $0x0  }
0xa0: {  	[sflag:s10] =	ssyncadd.s32 $0xFFFFE000;
	s6 =	sadd.s32 s25, s6  }
0xa1: {  	[hbm4b:s6+s3] =	stream.linear.scatter [tilespmem:s0], [sflag:$0xF], $0x2000, $0x38;
	[tilespmem:$0x16400] =	vst v63  }
0xa2: {  	_ =	swait.ge [sflag:s11], $0x2000  }
0xa3: {  	[sflag:s11] =	ssyncset.done $0x0  }
0xa4: {  	s6 =	sadd.s32 $0x580, s2;
	[sflag:s11] =	ssyncadd.s32 $0xFFFFE000  }
0xa5: {  	[tilespmem:s24], [sflag:$0x4] =	stream.indirect.gather [hbm4b:s4+s18], $0x40, s6, s18, $0xb8;
	[tilespmem:$0x16400] =	vst v63  }
0xa6: {  	_ =	swait.ge [sflag:s12], $0x2000  }
0xa7: {  	s6 =	rddreg [dreg:$0x3];
	[sflag:s12] =	ssyncset.done $0x0  }
0xa8: {  	[sflag:s12] =	ssyncadd.s32 $0xFFFFE000;
	s6 =	sadd.s32 s25, s6  }
0xa9: {  	[hbm4b:s6+s3] =	stream.linear.scatter [tilespmem:s29], [sflag:$0x10], $0x2000, $0x38;
	[tilespmem:$0x16400] =	vst v63  }
0xaa: {  	_ =	swait.ge [sflag:s13], $0x2000  }
0xab: {  	[sflag:s13] =	ssyncset.done $0x0  }
0xac: {  	s6 =	sadd.s32 $0x600, s2;
	[sflag:s13] =	ssyncadd.s32 $0xFFFFE000  }
0xad: {  	[tilespmem:s26], [sflag:$0x5] =	stream.indirect.gather [hbm4b:s4+s18], $0x40, s6, s18, $0xb8;
	[tilespmem:$0x16400] =	vst v63  }
0xae: {  	_ =	swait.ge [sflag:s28], $0x2000  }
0xaf: {  	s6 =	rddreg [dreg:$0xa];
	[sflag:s28] =	ssyncset.done $0x0  }
0xb0: {  	[sflag:s28] =	ssyncadd.s32 $0xFFFFE000;
	s6 =	sadd.s32 s25, s6  }
0xb1: {  	[hbm4b:s6+s3] =	stream.linear.scatter [tilespmem:s19], [sflag:$0x9], $0x2000, $0x38;
	[tilespmem:$0x16400] =	vst v63  }
0xb2: {  	_ =	swait.ge [sflag:s17], $0x2000  }
0xb3: {  	[sflag:s17] =	ssyncset.done $0x0  }
0xb4: {  	s6 =	sadd.s32 $0x680, s2;
	[sflag:s17] =	ssyncadd.s32 $0xFFFFE000  }
0xb5: {  	[tilespmem:s30], [sflag:$0x6] =	stream.indirect.gather [hbm4b:s4+s18], $0x40, s6, s18, $0xb8;
	[tilespmem:$0x16400] =	vst v63  }
0xb6: {  	_ =	swait.ge [sflag:s31], $0x2000  }
0xb7: {  	s6 =	rddreg [dreg:$0x9];
	[sflag:s31] =	ssyncset.done $0x0  }
0xb8: {  	[sflag:s31] =	ssyncadd.s32 $0xFFFFE000;
	s6 =	sadd.s32 s25, s6  }
0xb9: {  	[hbm4b:s6+s3] =	stream.linear.scatter [tilespmem:s20], [sflag:$0xA], $0x2000, $0x38;
	[tilespmem:$0x16400] =	vst v63  }
0xba: {  	_ =	swait.ge [sflag:s14], $0x2000  }
0xbb: {  	[sflag:s14] =	ssyncset.done $0x0  }
0xbc: {  	s6 =	sadd.s32 $0x700, s2;
	[sflag:s14] =	ssyncadd.s32 $0xFFFFE000  }
0xbd: {  	[tilespmem:s0], [sflag:$0x7] =	stream.indirect.gather [hbm4b:s4+s18], $0x40, s6, s18, $0xb8;
	[tilespmem:$0x16400] =	vst v63  }
0xbe: {  	_ =	swait.ge [sflag:s21], $0x2000  }
0xbf: {  	s6 =	rddreg [dreg:$0x8];
	[sflag:s21] =	ssyncset.done $0x0  }
0xc0: {  	[sflag:s21] =	ssyncadd.s32 $0xFFFFE000;
	s6 =	sadd.s32 s25, s6  }
0xc1: {  	[hbm4b:s6+s3] =	stream.linear.scatter [tilespmem:s22], [sflag:$0xB], $0x2000, $0x38;
	[tilespmem:$0x16400] =	vst v63  }
0xc2: {  	_ =	swait.ge [sflag:s15], $0x2000  }
0xc3: {  	p0 =	sne.s32 s16, $0x17000;
	[sflag:s15] =	ssyncset.done $0x0  }
.Ltmp0:
0xc4: {  	s2 =	sadd.s32 $0x780, s2;
	[sflag:s15] =	ssyncadd.s32 $0xFFFFE000;
	(pc) =	sbr.rel @p0 .LBB2_2-.Ltmp0, $4  }
0xc5: {  	[tilespmem:s29], [sflag:$0x8] =	stream.indirect.gather [hbm4b:s4+s18], $0x40, s2, s18, $0xb8;
	[tilespmem:$0x16400] =	vst v63  }
0xc6: {  	_ =	swait.ge [sflag:s1], $0x2000  }
0xc7: {  	s16 =	sadd.s32 $0x1000, s16;
	[sflag:s1] =	ssyncset.done $0x0;
	s6 =	rddreg [dreg:$0x7]  }
0xc8: {  	[sflag:s1] =	ssyncadd.s32 $0xFFFFE000;
	s2 =	sadd.s32 s25, s6;
	s25 =	sadd.s32 $0x2000, s25  }
0xc9: {  	[hbm4b:s2+s3] =	stream.linear.scatter [tilespmem:s24], [sflag:$0xC], $0x2000, $0x38;
	[tilespmem:$0x16400] =	vst v63  }
0xca: {  	_ =	swait.ge [sflag:s5], $0x2000  }
0xcb: {  	[sflag:s5] =	ssyncset.done $0x0  }
0xcc: {  	s16 =	rddreg [dreg:$0x11];
	[sflag:s5] =	ssyncadd.s32 $0xFFFFE000  }
0xcd: {  	[hbm4b:s16+s3] =	stream.linear.scatter [tilespmem:s26], [sflag:$0xD], $0x2000, $0x38;
	[tilespmem:$0x16400] =	vst v63  }
0xce: {  	_ =	swait.ge [sflag:s8], $0x2000  }
0xcf: {  	[sflag:s8] =	ssyncset.done $0x0  }
0xd0: {  	s25 =	rddreg [dreg:$0x12];
	[sflag:s8] =	ssyncadd.s32 $0xFFFFE000  }
0xd1: {  	[hbm4b:s25+s3] =	stream.linear.scatter [tilespmem:s30], [sflag:$0xE], $0x2000, $0x38;
	[tilespmem:$0x16400] =	vst v63  }
0xd2: {  	_ =	swait.ge [sflag:s10], $0x2000  }
0xd3: {  	[sflag:s10] =	ssyncset.done $0x0  }
0xd4: {  	s6 =	rddreg [dreg:$0x13];
	[sflag:s10] =	ssyncadd.s32 $0xFFFFE000  }
0xd5: {  	[hbm4b:s6+s3] =	stream.linear.scatter [tilespmem:s0], [sflag:$0xF], $0x2000, $0x38;
	[tilespmem:$0x16400] =	vst v63  }
0xd6: {  	_ =	swait.ge [sflag:s12], $0x2000  }
0xd7: {  	[sflag:s12] =	ssyncset.done $0x0  }
0xd8: {  	s16 =	rddreg [dreg:$0x14];
	[sflag:s12] =	ssyncadd.s32 $0xFFFFE000  }
0xd9: {  	[hbm4b:s16+s3] =	stream.linear.scatter [tilespmem:s29], [sflag:$0x10], $0x2000, $0x38;
	[tilespmem:$0x16400] =	vst v63  }
0xda: {  	_ =	swait.ge [sflag:s23], $0x2000  }
0xdb: {  	[sflag:s23] =	ssyncset.done $0x0  }
0xdc: {  	[sflag:s23] =	ssyncadd.s32 $0xFFFFE000  }
0xdd: {  	_ =	swait.ge [sflag:s7], $0x2000  }
0xde: {  	[sflag:s7] =	ssyncset.done $0x0  }
0xdf: {  	[sflag:s7] =	ssyncadd.s32 $0xFFFFE000  }
0xe0: {  	_ =	swait.ge [sflag:s9], $0x2000  }
0xe1: {  	[sflag:s9] =	ssyncset.done $0x0  }
0xe2: {  	[sflag:s9] =	ssyncadd.s32 $0xFFFFE000  }
0xe3: {  	_ =	swait.ge [sflag:s11], $0x2000  }
0xe4: {  	[sflag:s11] =	ssyncset.done $0x0  }
0xe5: {  	[sflag:s11] =	ssyncadd.s32 $0xFFFFE000  }
0xe6: {  	_ =	swait.ge [sflag:s13], $0x2000  }
0xe7: {  	[sflag:s13] =	ssyncset.done $0x0  }
0xe8: {  	[sflag:s13] =	ssyncadd.s32 $0xFFFFE000  }
0xe9: {  	_ =	swait.ge [sflag:s17], $0x2000  }
0xea: {  	[sflag:s17] =	ssyncset.done $0x0  }
0xeb: {  	[sflag:s17] =	ssyncadd.s32 $0xFFFFE000  }
0xec: {  	_ =	swait.ge [sflag:s14], $0x2000  }
0xed: {  	[sflag:s14] =	ssyncset.done $0x0  }
0xee: {  	[sflag:s14] =	ssyncadd.s32 $0xFFFFE000  }
0xef: {  	_ =	swait.ge [sflag:s15], $0x2000  }
0xf0: {  	s6 =	rddreg [dreg:$0x16]  }
0xf1: {  	s25 =	rddreg [dreg:$0x15];
	s6 =	sadd.s32 $0x1, s6  }
0xf2: {  	p0 =	sne.s32 s6, s25  }
.Ltmp1:
0xf3: {  	_ = 	snop;
	(pc) =	sbr.rel @p0 .LBB2_1-.Ltmp1, $3  }
0xf4: {  	_ =	sdelay $0x1  }
0xf5: {  	[sflag:s15] =	ssyncset.done $0x0  }
0xf6: {  	[sflag:s15] =	ssyncadd.s32 $0xFFFFE000  }
0xf7: {  	_ =	sfence.sel $0x180000  }
0xf8: {  	[bflag:$0x0] =	sbarrier.arrive $0xFFFF  }
0xf9: {  	_ =	strace $0x90000047  }
0xfa: {  	s0 =	stileid.u32;
	[bflag:$0x2] =	sbarrier.arrive $0xFFFF  }
0xfb: {  	p0 =	sne.s32 s0, $0x0;
	s0 =	rddreg [dreg:$0x2]  }
0xfc: {  	s0 =	sadd.s32 @!p0 $0x100000, s0  }
0xfd: {  	[sflag:s0] =	ssyncadd.tile.s32 @!p0 $0x1;
	_ =	shalt  }
.Lfunc_end2:
_tile_overlayer_lowered:
.L_overlay_start_2:
0xfe: {  	(tag) =	ssettag $0x2  }
0xff: {  	s0 =	rddreg [dreg:$0x0];
	s2 =	stileid.u32  }
0x100: {  	s1 =	rddreg [dreg:$0x1];
	p0 =	sne.s32 s2, $0x0  }
0x101: {  	s3 =	rddreg [dreg:$0x2];
	[bflag:$0x3] =	sbarrier.arrive $0xFFFF;
	s2 =	simm.s32 @!p0 $0x1C12  }
0x102: {  	[timem:s3], [sflag:s2] =	dma.local @!p0 [hbm:s0], s1  }
0x103: {  	s0 =	simm.s32 @!p0 $0x12  }
0x104: {  	_ =	swait.ge @!p0 [sflag:s0], s1  }
0x105: {  	s1 =	ssub.s32 @!p0 $0x0, s1;
	[sflag:s0] =	ssyncset.done @!p0 $0x0  }
0x106: {  	[sflag:s0] =	ssyncadd.s32 @!p0 s1  }
0x107: {  	[bflag:$0x3] =	sbarrier.arrive $0xFFFF  }
0x108: {  	_ =	shalt  }

// kernel: sparse-core-data-format-call.cloned.1.call-start
scs
called_computation_lowered:
.L_overlay_start_0:
0x0: {  	s2 =	sld [smem:$0x3FD9]  }
0x1: {  	s3 =	sld [smem:$0x3FFE];
	_ =	sdelay $0x1  }
0x2: {  	s1 =	srdreg.scid  }
0x3: {  	s0 =	sand.u32 $0x1, s1  }
0x4: {  	s18 =	sshll.u32 s0, $0xA;
	s2 =	sadd.s32 s3, s2  }
0x5: {  	s2 =	sadd.s32 s2, s18  }
0x6: {  	[smem:$0x3FC6] =	sst s2  }
0x7: {  	_ = 	snop  }
0x8: {  	s2 =	sld [smem:$0x3FD0];
	(tm) =	ssettm $0x1  }
0x9: {  	s19 =	sld [smem:$0x3FFB];
	_ =	sdelay $0x3  }
0xa: {  	_ =	strace s19  }
0xb: {  	s3 =	sld [smem:$0x3FFC];
	_ =	sdelay $0x3  }
0xc: {  	_ =	strace s3  }
0xd: {  	s3 =	sld [smem:$0x3FFD];
	_ =	sdelay $0x3  }
0xe: {  	_ =	strace s3  }
0xf: {  	_ =	strace $0x8FFFFFFF  }
0x10: {  	s20 =	sld [smem:$0x3FDB];
	_ =	sdelay $0x1  }
0x11: {  	s4 =	simm.s32 $_scs_section_size  }
0x12: {  	s5 =	simm.s32 $_size__tile_overlayer_lowered;
	s6 =	simm.s32 $_tile_overlayer_lowered  }
0x13: {  	s23 =	simm.s32 $0x1BFF;
	s22 =	sshll.u32 s6, $0x1;
	s3 =	sadd.s32 s4, s20  }
0x14: {  	s7 =	simm.s32 $0x0;
	s21 =	sshll.u32 s5, $0x1;
	s5 =	sadd.s32 s22, s3  }
0x15: {  	[timem:s7], [sflag:s23] =	dma.local [hbm:s5], s21  }
0x16: {  	_ =	swait.ge [sflag:s23], s21  }
0x17: {  	s4 =	ssub.s32 $0x0, s21;
	[sflag:s23] =	ssyncset.done $0x0  }
0x18: {  	[sflag:s23] =	ssyncadd.s32 s4;
	_ =	sdelay $0x1  }
0x19: {  	s24 =	simm.s32 $0x1B8B  }
0x1a: {  	_ =	swait.ge [sflag:s24], $0x1  }
0x1b: {  	[sflag:s24] =	ssyncset.done $0x0  }
0x1c: {  	s26 =	simm.s32 $0x1B8E;
	s25 =	sld [smem:$0x3FFE];
	[sflag:s24] =	ssyncadd.s32 $0xFFFFFFFF  }
0x1d: {  	s27 =	simm.s32 $execute0_lowered;
	[smem:$0x3FD2] =	sst s26  }
0x1e: {  	s5 =	sshll.u32 s27, $0x1;
	_ =	strace $0x80000049;
	[dreg:$0x1] =	wrdreg $0xFFFFFFFF  }
0x1f: {  	s28 =	simm.s32 $_size_execute0_lowered;
	s3 =	sadd.s32 s3, s5;
	[dreg:$0x0] =	wrdreg $0x0  }
0x20: {  	s5 =	sshll.u32 s28, $0x1;
	[dreg:$0x2] =	wrdreg s3  }
0x21: {  	[dreg:$0x3] =	wrdreg s5  }
0x22: {  	[dreg:$0x4] =	wrdreg $0xC0  }
0x23: {  	_ =	task [dreg:s7], $0x5FFFF  }
0x24: {  	[dreg:$0x1] =	wrdreg $0xFFFFFFFF  }
0x25: {  	[dreg:$0x0] =	wrdreg $0x60  }
0x26: {  	[dreg:$0x2] =	wrdreg s25  }
0x27: {  	[dreg:$0x3] =	wrdreg s2  }
0x28: {  	[dreg:$0x4] =	wrdreg $0x9  }
0x29: {  	_ =	task.clear_ibuf [dreg:s7], $0x5FFFF;
	_ =	strace $0x90000049  }
0x2a: {  	s29 =	simm.s32 $0x9;
	_ =	strace $0x8000004B  }
0x2b: {  	_ =	swait.ge [sflag:s29], $0x1  }
0x2c: {  	[sflag:s29] =	ssyncadd.s32 $0xFFFFFFFF  }
0x2d: {  	_ =	strace $0x9000004B  }
0x2e: {  	_ =	sfence  }
0x2f: {  	s30 =	sld [smem:$0x0];
	_ =	sdelay $0x2  }
0x30: {  	s31 =	sshll.u32 s1, $0xD;
	s1 =	sshrl.u32 s1, $0x2  }
0x31: {  	s3 =	sand.u32 $0x4000, s31;
	s1 =	sadd.s32 s1, s30  }
0x32: {  	s0 =	sor.u32 s3, s0;
	s1 =	sshll.u32 s1, $0x11  }
0x33: {  	s0 =	sor.u32 s1, s0  }
0x34: {  	s0 =	sadd.s32 $0x8F2B, s0  }
0x35: {  	[sflag:s0] =	ssyncadd.remote.s32 $0x1  }
0x36: {  	_ =	sfence.sel $0xFFFF  }
0x37: {  	[dreg:$0x0] =	wrdreg $0xFFFFFFFF;
	(pc) =	sbr.abs _section_cstart, $3  }
0x38: {  	[dreg:$0x1] =	wrdreg $0xFFFFFFFF  }
0x39: {  	_ =	task.clear_ibuf [dreg:s7], $0x2FFFF;
	_ =	strace $0x9FFFFFFF  }
0x3a: {  	(tm) =	ssettm $0x7FFFFFFF  }
0x3b: {  	_ =	shalt  }
tec
execute0_lowered:
.L_overlay_start_1:
0x0: {  	(tag) =	ssettag $0x1  }
0x1: {  	s0 =	srdreg.scid  }
0x2: {  	s1 =	sshll.u32 s0, $0x4  }
0x3: {  	s0 =	stileid.u32;
	s1 =	sand.u32 $0x10, s1  }
0x4: {  	s1 =	sor.u32 s0, s1  }
0x5: {  	s6 =	rddreg [dreg:$0x0];
	s4 =	simm.s32 $0x1;
	s2 =	sshll.u32 s1, $0x7  }
0x6: {  	s7 =	simm.s32 $0x2;
	s12 =	simm.s32 $0x0;
	s1 =	ssub.s32 $0x4000, s2  }
0x7: {  	s8 =	simm.s32 $0x20000;
	s13 =	simm.s32 $0x0;
	s3 =	sand.u32 $0xF80, s1  }
0x8: {  	s9 =	simm.s32 $0x0;
	s5 =	sshrl.u32 s1, $0xC;
	p0 =	sne.s32 s3, $0x0  }
.Ltmp0:
0x9: {  	s1 =	rddreg [dreg:$0x2];
	s4 =	simm.s32 @!p0 $0x0;
	(pc) =	sbr.rel .LBB1_1-.Ltmp0, $4  }
0xa: {  	s11 =	simm.s32 $0x0;
	s3 =	rddreg [dreg:$0x1];
	s5 =	sadd.s32 s4, s5  }
0xb: {  	_ =	strace $0x8000004A;
	s4 =	simm.s32 $0x1;
	s5 =	smul.u32 $0x32, s5  }
0xc: {  	s6 =	sadd.s32 $0xA00, s6;
	s10 =	smov.u32 s2;
	[sflag:s4] =	ssyncpa.u1 $0x0  }
0xd: {  	p0 =	por $0x0, $0x0;
	[sflag:s7] =	ssyncpa.u1 $0x0;
	s7 =	sor.u32 $0x1, s5  }
.LBB1_4:
0xe: {  	s16 =	sshll.u32 s13, $0x3;
	s17 =	sand.u32 $0x78, s13  }
0xf: {  	s30 =	sand.u32 $0x1F800, s13;
	s12 =	sshll.u32 s12, $0x11;
	s16 =	sand.u32 $0x3C00, s16  }
0x10: {  	[tilespmem:s15+$0x810 ss:$0x81] =	vst.msk $0xffff, v2;
	s31 =	sand.u32 $0x7, s13;
	s16 =	sor.u32 s17, s16;
	s17 =	sadd.s32 s3, s30  }
0x11: {  	[tilespmem:s15+$0x1020 ss:$0x81] =	vst.msk $0xffff, v0;
	s13 =	sshll.u32 s31, $0x12;
	s12 =	sadd.s32 s12, s17;
	s16 =	sshrl.u32 s16, $0x3  }
0x12: {  	[tilespmem:s15+$0x0 ss:$0x81] =	vst.msk $0xffff, v1;
	s13 =	sor.u32 $0x400, s13;
	s12 =	sadd.s32 s16, s12  }
0x13: {  	[hbm4b:s12+s13] =	stream.strided.scatter [tilespmem:s14], [sflag:$0x2], $0x2000, s8, s13, $0x20;
	[tilespmem:$0x8080] =	vst v63  }
.LBB1_5:
0x14: {  	s14 =	sadd.s32 $0x1, s9  }
0x15: {  	s12 =	sadd.s32 $0x1000, s10;
	s16 =	smov.u32 s10;
	p2 =	sgt.s32 s14, $0x31  }
0x16: {  	s16 =	smov.u32 @p2 s12  }
0x17: {  	s14 =	simm.s32 @p2 $0x0;
	p2 =	sgt.s32 s16, $0x3FFF  }
0x18: {  	s16 =	smov.u32 @p2 s2;
	p2 =	sne.s32 s11, s7  }
.Ltmp1:
0x19: {  	p1 =	slt.u32 s11, $0x2;
	(pc) =	sbr.rel @!p2 .LBB1_6-.Ltmp1, $4  }
0x1a: {  	s15 =	simm.s32 @!p1 $0x2  }
0x1b: {  	s13 =	smov.u32 s10;
	p0 =	por !p0, !p0;
	_ =	swait.ge @!p1 [sflag:s15], $0x2000  }
0x1c: {  	s12 =	smov.u32 s9;
	[sflag:s15] =	ssyncset.done @!p1 $0x0;
	s9 =	smov.u32 s14  }
0x1d: {  	s11 =	sadd.s32 $0x1, s11;
	[sflag:s15] =	ssyncadd.s32 @!p1 $0xFFFFE000;
	s10 =	smov.u32 s16  }
.LBB1_1:
0x1e: {  	p1 =	sge.u32 s11, s5  }
0x1f: {  	s14 =	sand.u32 @!p1 $0x1FFFFFF, s9  }
0x20: {  	s15 =	smulhi.u32 @!p1 $0x4924925, s14;
	_ =	sdelay $0x1  }
0x21: {  	s15 =	smul.u32 @!p1 $0x38, s15  }
0x22: {  	s16 =	sxor.u32 @!p1 $0xFFFFFFFF, s11;
	s17 =	smul.u32 @!p1 $0x380, s10  }
0x23: {  	s31 =	sadd.s32 $0xFFFFFFFF, s11;
	s16 =	sshll.u32 @!p1 s16, $0xD;
	s14 =	ssub.s32 @!p1 s14, s15  }
0x24: {  	s15 =	sand.u32 @!p1 $0x2000, s16;
	s16 =	sadd.s32 @!p1 s6, s17;
	s14 =	sshll.u32 @!p1 s14, $0x4  }
0x25: {  	s17 =	simm.s32 @!p1 $0x1C00;
	s14 =	sadd.s32 @!p1 s14, s16;
	s16 =	simm.s32 @!p1 $0x40  }
0x26: {  	[tilespmem:s15], [sflag:$0x1] =	stream.strided.gather @!p1 [hbm4b:s14+s16], $0x2000, s17, s16, $0x38;
	[tilespmem:$0x8080] =	vst v63  }
0x27: {  	p1 =	sge.u32 s31, s5  }
.Ltmp2:
0x28: {  	_ = 	snop;
	(pc) =	sbr.rel @p1 .LBB1_5-.Ltmp2, $1  }
0x29: {  	_ =	sdelay $0x3  }
0x2a: {  	s14 =	simm.s32 $0x1  }
0x2b: {  	_ =	swait.ge [sflag:s4], $0x2000;
	s14 =	simm.s32 @!p0 $0x0  }
0x2c: {  	[sflag:s4] =	ssyncset.done $0x0;
	s15 =	sshll.u32 s14, $0xD  }
0x2d: {  	[sflag:s4] =	ssyncadd.s32 $0xFFFFE000;
	s18 =	sor.u32 $0x20, s15  }
0x2e: {  	s14 =	smul.u32 $0x8100, s14;
	v3 =	vld [tilespmem:s18+$0x10]  }
0x2f: {  	s30 =	sand.u32 $0x1, s11;
	v2 =	vld [tilespmem:s18+$0xFFFFFFF0]  }
0x30: {  	s15 =	smul.u32 $0x8100, s30;
	s14 =	sshrl.u32 s14, $0x2;
	v0 =	vld [tilespmem:s18+$0x0]  }
0x31: {  	v1 =	vld [tilespmem:s18+$0xFFFFFFE0];
	s16 =	sor.u32 $0x4000, s14  }
0x32: {  	s31 =	sshrl.u32 s15, $0x2;
	s15 =	sadd.s32 $0x0, s16  }
0x33: {  	s17 =	simm.s32 $0x4;
	s18 =	sadd.s32 $0x40, s18;
	s14 =	sor.u32 $0x4000, s31;
	[tilespmem:s15+$0x1830 ss:$0x81] =	vst.msk $0xffff, v3  }
.LBB1_3:
0x34: {  	v3 =	vld [tilespmem:s18+$0x10];
	p1 =	sne.s32 s17, $0x1FC;
	[tilespmem:s15+$0x810 ss:$0x81] =	vst.msk $0xffff, v2;
	s19 =	smov.u32 s17;
	s17 =	sadd.s32 $0x4, s17  }
.Ltmp3:
0x35: {  	v2 =	vld [tilespmem:s18+$0xFFFFFFF0];
	[tilespmem:s15+$0x1020 ss:$0x81] =	vst.msk $0xffff, v0;
	(pc) =	sbr.rel @p1 .LBB1_3-.Ltmp3, $4  }
0x36: {  	v0 =	vld [tilespmem:s18+$0x0];
	[tilespmem:s15+$0x0 ss:$0x81] =	vst.msk $0xffff, v1  }
0x37: {  	s15 =	sshra.s32 s19, $0x2;
	v1 =	vld [tilespmem:s18+$0xFFFFFFE0]  }
0x38: {  	s15 =	sadd.s32 s15, s16  }
0x39: {  	s18 =	sadd.s32 $0x40, s18;
	[tilespmem:s15+$0x1830 ss:$0x81] =	vst.msk $0xffff, v3  }
.Ltmp4:
0x3a: {  	_ = 	snop;
	(pc) =	sbr.rel .LBB1_4-.Ltmp4, $1  }
0x3b: {  	_ =	sdelay $0x3  }
.LBB1_6:
0x3c: {  	_ =	sfence.sel $0x180000  }
0x3d: {  	s2 =	simm.s32 $0x1;
	[bflag:$0x0] =	sbarrier.arrive $0xFFFF  }
0x3e: {  	s31 =	simm.s32 $0x2;
	[sflag:s2] =	ssyncpa.u1 $0x1  }
0x3f: {  	[sflag:s31] =	ssyncpa.u1 $0x1  }
0x40: {  	p0 =	sne.s32 s0, $0x0;
	_ =	strace $0x9000004A  }
0x41: {  	s0 =	sadd.s32 @!p0 $0x100000, s1;
	[bflag:$0x2] =	sbarrier.arrive $0xFFFF  }
0x42: {  	[sflag:s0] =	ssyncadd.tile.s32 @!p0 $0x1;
	_ =	shalt  }
.Lfunc_end1:
_tile_overlayer_lowered:
.L_overlay_start_2:
0x43: {  	(tag) =	ssettag $0x2  }
0x44: {  	s0 =	rddreg [dreg:$0x0];
	s2 =	stileid.u32  }
0x45: {  	s1 =	rddreg [dreg:$0x1];
	p0 =	sne.s32 s2, $0x0  }
0x46: {  	s3 =	rddreg [dreg:$0x2];
	[bflag:$0x3] =	sbarrier.arrive $0xFFFF;
	s2 =	simm.s32 @!p0 $0x1C01  }
0x47: {  	[timem:s3], [sflag:s2] =	dma.local @!p0 [hbm:s0], s1  }
0x48: {  	s0 =	simm.s32 @!p0 $0x1  }
0x49: {  	_ =	swait.ge @!p0 [sflag:s0], s1  }
0x4a: {  	s1 =	ssub.s32 @!p0 $0x0, s1;
	[sflag:s0] =	ssyncset.done @!p0 $0x0  }
0x4b: {  	[sflag:s0] =	ssyncadd.s32 @!p0 s1  }
0x4c: {  	[bflag:$0x3] =	sbarrier.arrive $0xFFFF  }
0x4d: {  	_ =	shalt  }

</sc_bundles>
